<compile_context>
chip_gen: v7x
topology: tpu7x:2x2x1
jax: 0.10.2.dev20260603
libtpu: 0.0.44.dev20260713+nightly
codegen_flags: <defaults>
</compile_context>

<pallas_src>
import functools

import jax
import jax.numpy as jnp
from jax import lax
from jax.experimental import pallas as pl
from jax.experimental.pallas import tpu as pltpu
from jax.experimental.pallas import tpu_sc as plsc

N = 100000
E = 1600000
D_IN = 128
H = 32
HH = 16

NUM_CORES = 2
NUM_SUBCORES = 16
K = 512
C = 196
PER_SUB = K * C
E_PAD = PER_SUB * NUM_SUBCORES
ACC_N = 100096

ROW_BLK = 2000


def _enc_body(xb_ref, xr_ref, wb_ref, bb_ref, wr_ref, br_ref,
              hb_ref, lo_ref, hi_ref):
    hb = jnp.dot(xb_ref[...], wb_ref[...], preferred_element_type=jnp.float32)
    hb = jnp.maximum(hb + bb_ref[...], 0.0)
    hr = jnp.dot(xr_ref[...], wr_ref[...], preferred_element_type=jnp.float32)
    hr = jnp.maximum(hr + br_ref[...], 0.0)
    hb_ref[...] = hb
    lo_ref[...] = hr[:, :HH]
    hi_ref[...] = hr[:, HH:]


def _fin_body(lo_ref, hi_ref, cnt_ref, hb_ref, wllo_ref, wlhi_ref, bl_ref,
              wr_ref, wo_ref, bo_ref, out_ref):
    c = jnp.maximum(cnt_ref[...], 1.0)
    ml = lo_ref[...] / c
    mh = hi_ref[...] / c
    t = (jnp.dot(ml, wllo_ref[...], preferred_element_type=jnp.float32)
         + jnp.dot(mh, wlhi_ref[...], preferred_element_type=jnp.float32)
         + jnp.dot(hb_ref[...], wr_ref[...], preferred_element_type=jnp.float32)
         + bl_ref[...])
    u = jnp.maximum(t, 0.0)
    out_ref[...] = jnp.dot(u, wo_ref[...],
                           preferred_element_type=jnp.float32) + bo_ref[...]


def _sc_body(src_hbm, dst_hbm, hrlo_hbm, hrhi_hbm,
             slo_hbm, shi_hbm, cnt_hbm,
             acc, cacc, sidx, didx, rows, ones_v, zc, sem):
    c = lax.axis_index("c")
    s = lax.axis_index("s")

    def _rows_fill(i, carry):
        rows[i] = jnp.zeros((16,), jnp.float32)
        return carry
    lax.fori_loop(0, K, _rows_fill, 0)

    def _zc_fill(i, carry):
        zc[pl.ds(i * 16, 16)] = jnp.zeros((16,), jnp.float32)
        return carry
    lax.fori_loop(0, K // 16, _zc_fill, 0)

    def _ones_fill(i, carry):
        ones_v[pl.ds(i * 16, 16)] = jnp.ones((16,), jnp.float32)
        return carry
    lax.fori_loop(0, K // 16, _ones_fill, 0)

    tile_rows = ACC_N // NUM_SUBCORES
    for j in range(12):
        pltpu.sync_copy(rows, acc.at[pl.ds(s * tile_rows + j * K, K)])
        pltpu.sync_copy(zc, cacc.at[pl.ds(s * tile_rows + j * K, K)])
    last = tile_rows - K
    pltpu.sync_copy(rows, acc.at[pl.ds(s * tile_rows + last, K)])
    pltpu.sync_copy(zc, cacc.at[pl.ds(s * tile_rows + last, K)])

    plsc.subcore_barrier()

    base = s * PER_SUB

    def _chunk(j, carry):
        off = base + j * K
        pltpu.sync_copy(src_hbm.at[pl.ds(off, K)], sidx)
        pltpu.sync_copy(dst_hbm.at[pl.ds(off, K)], didx)

        @pl.when(c == 0)
        def _():
            pltpu.async_copy(hrlo_hbm.at[sidx], rows, sem).wait()
            pltpu.sync_copy(rows, acc.at[didx], add=True)

        @pl.when(c == 1)
        def _():
            pltpu.async_copy(hrhi_hbm.at[sidx], rows, sem).wait()
            pltpu.sync_copy(rows, acc.at[didx], add=True)
            pltpu.sync_copy(ones_v, cacc.at[didx], add=True)

        return carry
    lax.fori_loop(0, C, _chunk, 0)

    plsc.subcore_barrier()

    @pl.when(c == 0)
    def _():
        pltpu.sync_copy(acc.at[pl.ds(s * tile_rows, tile_rows)],
                        slo_hbm.at[pl.ds(s * tile_rows, tile_rows)])

    @pl.when(c == 1)
    def _():
        pltpu.sync_copy(acc.at[pl.ds(s * tile_rows, tile_rows)],
                        shi_hbm.at[pl.ds(s * tile_rows, tile_rows)])
        pltpu.sync_copy(cacc.at[pl.ds(s * tile_rows, tile_rows)],
                        cnt_hbm.at[pl.ds(s * tile_rows, tile_rows)])


def kernel(x_bridge, x_road, edge_index_b2r, edge_index_r2b,
           W_enc_bridge, b_enc_bridge, W_enc_road, b_enc_road,
           Wl_b2r, bl_b2r, Wr_b2r, Wl_r2b, bl_r2b, Wr_r2b,
           W_out, b_out):
    grid = N // ROW_BLK
    row_spec2 = pl.BlockSpec((ROW_BLK, D_IN), lambda i: (i, 0))
    w_spec = pl.BlockSpec((D_IN, H), lambda i: (0, 0))
    b_spec = pl.BlockSpec((1, H), lambda i: (0, 0))
    hb, hr_lo, hr_hi = pl.pallas_call(
        _enc_body,
        grid=(grid,),
        in_specs=[row_spec2, row_spec2, w_spec, b_spec, w_spec, b_spec],
        out_specs=[
            pl.BlockSpec((ROW_BLK, H), lambda i: (i, 0)),
            pl.BlockSpec((ROW_BLK, HH), lambda i: (i, 0)),
            pl.BlockSpec((ROW_BLK, HH), lambda i: (i, 0)),
        ],
        out_shape=[
            jax.ShapeDtypeStruct((N, H), jnp.float32),
            jax.ShapeDtypeStruct((N, HH), jnp.float32),
            jax.ShapeDtypeStruct((N, HH), jnp.float32),
        ],
    )(x_bridge, x_road,
      W_enc_bridge, b_enc_bridge.reshape(1, H),
      W_enc_road, b_enc_road.reshape(1, H))

    src = edge_index_r2b[0].astype(jnp.int32)
    dst = edge_index_r2b[1].astype(jnp.int32)
    pad = E_PAD - E
    src_p = jnp.concatenate([src, jnp.zeros((pad,), jnp.int32)])
    dst_p = jnp.concatenate([dst, jnp.full((pad,), N, jnp.int32)])

    mesh = plsc.VectorSubcoreMesh(core_axis_name="c", subcore_axis_name="s")
    sc_fn = pl.kernel(
        _sc_body,
        out_type=(
            jax.ShapeDtypeStruct((ACC_N, HH), jnp.float32),
            jax.ShapeDtypeStruct((ACC_N, HH), jnp.float32),
            jax.ShapeDtypeStruct((ACC_N,), jnp.float32),
        ),
        mesh=mesh,
        scratch_types=[
            pltpu.VMEM_SHARED((ACC_N, HH), jnp.float32),
            pltpu.VMEM_SHARED((ACC_N,), jnp.float32),
            pltpu.VMEM((K,), jnp.int32),
            pltpu.VMEM((K,), jnp.int32),
            pltpu.VMEM((K, HH), jnp.float32),
            pltpu.VMEM((K,), jnp.float32),
            pltpu.VMEM((K,), jnp.float32),
            pltpu.SemaphoreType.DMA,
        ],
        compiler_params=pltpu.CompilerParams(use_tc_tiling_on_sc=False),
    )
    sum_lo, sum_hi, cnt = sc_fn(src_p, dst_p, hr_lo, hr_hi)

    out = pl.pallas_call(
        _fin_body,
        grid=(grid,),
        in_specs=[
            pl.BlockSpec((ROW_BLK, HH), lambda i: (i, 0)),
            pl.BlockSpec((ROW_BLK, HH), lambda i: (i, 0)),
            pl.BlockSpec((ROW_BLK, 1), lambda i: (i, 0)),
            pl.BlockSpec((ROW_BLK, H), lambda i: (i, 0)),
            pl.BlockSpec((HH, H), lambda i: (0, 0)),
            pl.BlockSpec((HH, H), lambda i: (0, 0)),
            pl.BlockSpec((1, H), lambda i: (0, 0)),
            pl.BlockSpec((H, H), lambda i: (0, 0)),
            pl.BlockSpec((H, 1), lambda i: (0, 0)),
            pl.BlockSpec((1, 1), lambda i: (0, 0)),
        ],
        out_specs=pl.BlockSpec((ROW_BLK, 1), lambda i: (i, 0)),
        out_shape=jax.ShapeDtypeStruct((N, 1), jnp.float32),
    )(sum_lo, sum_hi, cnt[:N].reshape(N, 1), hb,
      Wl_r2b[:HH], Wl_r2b[HH:], bl_r2b.reshape(1, H),
      Wr_r2b, W_out, b_out.reshape(1, 1))
    return out

# --- scband reference (transcript-rebuilt; emitter-appended) ---
"""Pipeline reference for scband-bridge-importance-hgnn-simple-3770981286512 (READ-ONLY COPY).

The authoritative reference and input builder live on the scoring server;
editing this copy changes nothing except your own understanding.
"""

import jax, jax.numpy as jnp
import numpy as np

N_BRIDGE = 100000
N_ROAD = 100000
E = 1600000
D_IN = 128
H = 32
D_OUT = 1


def setup_inputs(seed: int = 0) -> dict:
    key = jax.random.key(seed)
    ks = jax.random.split(key, 16)
    s = 0.05
    inp = {}
    inp["x_bridge"] = jax.random.normal(ks[0], (N_BRIDGE, D_IN), dtype=jnp.float32)
    inp["x_road"] = jax.random.normal(ks[1], (N_ROAD, D_IN), dtype=jnp.float32)
    inp["edge_index_b2r"] = jax.random.randint(ks[2], (2, E), 0, N_BRIDGE, dtype=jnp.int64)
    inp["edge_index_r2b"] = jax.random.randint(ks[3], (2, E), 0, N_ROAD, dtype=jnp.int64)
    # node encoders (Linear in_channels -> hidden)
    inp["W_enc_bridge"] = jax.random.normal(ks[4], (D_IN, H), dtype=jnp.float32) * s
    inp["b_enc_bridge"] = jnp.zeros((H,), dtype=jnp.float32)
    inp["W_enc_road"] = jax.random.normal(ks[5], (D_IN, H), dtype=jnp.float32) * s
    inp["b_enc_road"] = jnp.zeros((H,), dtype=jnp.float32)
    # SAGEConv per edge type: lin_l (applied to mean-aggregated neighbors, with bias), lin_r (applied to root, no bias)
    inp["Wl_b2r"] = jax.random.normal(ks[6], (H, H), dtype=jnp.float32) * s
    inp["bl_b2r"] = jnp.zeros((H,), dtype=jnp.float32)
    inp["Wr_b2r"] = jax.random.normal(ks[7], (H, H), dtype=jnp.float32) * s
    inp["Wl_r2b"] = jax.random.normal(ks[8], (H, H), dtype=jnp.float32) * s
    inp["bl_r2b"] = jnp.zeros((H,), dtype=jnp.float32)
    inp["Wr_r2b"] = jax.random.normal(ks[9], (H, H), dtype=jnp.float32) * s
    # output head for 'bridge'
    inp["W_out"] = jax.random.normal(ks[10], (H, D_OUT), dtype=jnp.float32) * s
    inp["b_out"] = jnp.zeros((D_OUT,), dtype=jnp.float32)
    return inp


def _sage_conv(x_src, x_dst, edge_index, W_l, b_l, W_r, num_dst):
    src = edge_index[0]
    dst = edge_index[1]
    msgs = jnp.take(x_src, src, axis=0)
    summed = jax.ops.segment_sum(msgs, dst, num_segments=num_dst)
    ones = jnp.ones((msgs.shape[0], 1), dtype=msgs.dtype)
    cnt = jax.ops.segment_sum(ones, dst, num_segments=num_dst)
    mean = summed / jnp.maximum(cnt, 1.0)
    return mean @ W_l + b_l + x_dst @ W_r


def reference(x_bridge, x_road, edge_index_b2r, edge_index_r2b,
              W_enc_bridge, b_enc_bridge, W_enc_road, b_enc_road,
              Wl_b2r, bl_b2r, Wr_b2r, Wl_r2b, bl_r2b, Wr_r2b,
              W_out, b_out):
    # node encoders + relu
    hb = jax.nn.relu(x_bridge @ W_enc_bridge + b_enc_bridge)
    hr = jax.nn.relu(x_road @ W_enc_road + b_enc_road)
    # HeteroConv (aggr='sum'): one edge type per destination here
    out_road = _sage_conv(hb, hr, edge_index_b2r, Wl_b2r, bl_b2r, Wr_b2r, N_ROAD)
    out_bridge = _sage_conv(hr, hb, edge_index_r2b, Wl_r2b, bl_r2b, Wr_r2b, N_BRIDGE)
    out_bridge = jax.nn.relu(out_bridge)
    out_road = jax.nn.relu(out_road)  # computed as in original dict comprehension
    # output head on 'bridge'
    return out_bridge @ W_out + b_out

if __name__ == "__main__":
    import jax
    _d = setup_inputs()
    print(jax.jit(kernel)(*tuple(_d.values())))

</pallas_src>

<mosaic_0001>
#map = affine_map<(d0, d1) -> (0)>
#map1 = affine_map<(d0, d1) -> (0, 0)>
module attributes {stable_mosaic.version = 14 : i64} {
  func.func @_sc_body(%arg0: i32, %arg1: i32, %arg2: memref<1605632xi32, #tpu.memory_space<hbm>>, %arg3: memref<1605632xi32, #tpu.memory_space<hbm>>, %arg4: memref<100000x16xf32, #tpu.memory_space<hbm>>, %arg5: memref<100000x16xf32, #tpu.memory_space<hbm>>, %arg6: memref<100096x16xf32, #tpu.memory_space<hbm>>, %arg7: memref<100096x16xf32, #tpu.memory_space<hbm>>, %arg8: memref<100096xf32, #tpu.memory_space<hbm>>, %arg9: memref<100096x16xf32, #tpu.memory_space<vmem_shared>>, %arg10: memref<100096xf32, #tpu.memory_space<vmem_shared>>, %arg11: memref<512xi32, #tpu.memory_space<vmem>>, %arg12: memref<512xi32, #tpu.memory_space<vmem>>, %arg13: memref<512x16xf32, #tpu.memory_space<vmem>>, %arg14: memref<512xf32, #tpu.memory_space<vmem>>, %arg15: memref<512xf32, #tpu.memory_space<vmem>>, %arg16: memref<!tpu.dma_semaphore, #tpu.memory_space<semaphore_mem>>) attributes {dimension_semantics = [#tpu.dimension_semantics<core_parallel>, #tpu.dimension_semantics<subcore_parallel>], iteration_bounds = array<i64: 2, 16>, scalar_prefetch = 0 : i64, scratch_operands = 8 : i64, tpu.core_type = #tpu.core_type<sc_vector_subcore>, window_params = [{transform_indices = #map}, {transform_indices = #map}, {transform_indices = #map1}, {transform_indices = #map1}, {transform_indices = #map1}, {transform_indices = #map1}, {transform_indices = #map}]} {
    %scan3A = arith.constant 0 : i32
    %scan3A_0 = arith.constant 0 : i32
    %scan3A_1 = arith.constant 512 : i32
    %scan3A_2 = arith.addi %scan3A_0, %scan3A_1 : i32
    %scan3A_3 = arith.constant 1 : i32
    scf.for %scan3A_135 = %scan3A_0 to %scan3A_2 step %scan3A_3  : i32 {
      %broadcast_in_dim3A = arith.constant 0.000000e+00 : f32
      %broadcast_in_dim3A_136 = vector.broadcast %broadcast_in_dim3A : f32 to vector<16xf32>
      %swap3A = arith.index_cast %scan3A_135 : i32 to index
      %swap3A_137 = arith.constant 0 : index
      %swap3A_138 = tpu.vector_load %arg13[%swap3A, %swap3A_137] {strides = array<i32>} : memref<512x16xf32, #tpu.memory_space<vmem>>, vector<1x16xf32>,
      %swap3A_139 = vector.shape_cast %swap3A_138 : vector<1x16xf32> to vector<16xf32>
      %swap3A_140 = vector.shape_cast %broadcast_in_dim3A_136 : vector<16xf32> to vector<1x16xf32>
      tpu.vector_store %arg13[%swap3A, %swap3A_137], %swap3A_140 {strides = array<i32>} : memref<512x16xf32, #tpu.memory_space<vmem>>, vector<1x16xf32>,
    }
    %scan3A_4 = arith.constant 512 : i32
    %scan3A_5 = arith.constant 0 : i32
    %scan3A_6 = arith.constant 0 : i32
    %scan3A_7 = arith.constant 32 : i32
    %scan3A_8 = arith.addi %scan3A_6, %scan3A_7 : i32
    %scan3A_9 = arith.constant 1 : i32
    scf.for %scan3A_135 = %scan3A_6 to %scan3A_8 step %scan3A_9  : i32 {
      %broadcast_in_dim3A = arith.constant 0.000000e+00 : f32
      %broadcast_in_dim3A_136 = vector.broadcast %broadcast_in_dim3A : f32 to vector<16xf32>
      %mul3A_137 = arith.constant 16 : i32
      %mul3A_138 = arith.muli %scan3A_135, %mul3A_137 : i32
      %swap3A = arith.index_cast %mul3A_138 : i32 to index
      %swap3A_139 = tpu.vector_load %arg15[%swap3A] {strides = array<i32>} : memref<512xf32, #tpu.memory_space<vmem>>, vector<16xf32>,
      %swap3A_140 = vector.shape_cast %swap3A_139 : vector<16xf32> to vector<16xf32>
      %swap3A_141 = vector.shape_cast %broadcast_in_dim3A_136 : vector<16xf32> to vector<16xf32>
      tpu.vector_store %arg15[%swap3A], %swap3A_141 {strides = array<i32>} : memref<512xf32, #tpu.memory_space<vmem>>, vector<16xf32>,
    }
    %scan3A_10 = arith.constant 32 : i32
    %scan3A_11 = arith.constant 0 : i32
    %scan3A_12 = arith.constant 0 : i32
    %scan3A_13 = arith.constant 32 : i32
    %scan3A_14 = arith.addi %scan3A_12, %scan3A_13 : i32
    %scan3A_15 = arith.constant 1 : i32
    scf.for %scan3A_135 = %scan3A_12 to %scan3A_14 step %scan3A_15  : i32 {
      %broadcast_in_dim3A = arith.constant 1.000000e+00 : f32
      %broadcast_in_dim3A_136 = vector.broadcast %broadcast_in_dim3A : f32 to vector<16xf32>
      %mul3A_137 = arith.constant 16 : i32
      %mul3A_138 = arith.muli %scan3A_135, %mul3A_137 : i32
      %swap3A = arith.index_cast %mul3A_138 : i32 to index
      %swap3A_139 = tpu.vector_load %arg14[%swap3A] {strides = array<i32>} : memref<512xf32, #tpu.memory_space<vmem>>, vector<16xf32>,
      %swap3A_140 = vector.shape_cast %swap3A_139 : vector<16xf32> to vector<16xf32>
      %swap3A_141 = vector.shape_cast %broadcast_in_dim3A_136 : vector<16xf32> to vector<16xf32>
      tpu.vector_store %arg14[%swap3A], %swap3A_141 {strides = array<i32>} : memref<512xf32, #tpu.memory_space<vmem>>, vector<16xf32>,
    }
    %scan3A_16 = arith.constant 32 : i32
    %mul3A = arith.constant 6256 : i32
    %mul3A_17 = arith.muli %arg1, %mul3A : i32
    %add3A = arith.constant 0 : i32
    %add3A_18 = arith.addi %mul3A_17, %add3A : i32
    "tpu.region"() ({
      %run_scoped3A = tpu.sem_alloc : memref<!tpu.dma_semaphore, #tpu.memory_space<semaphore_mem>>
      %dma_start3A = arith.constant 0 : i32
      %dma_start3A_135 = tpu.memref_slice %arg9[%add3A_18, %dma_start3A] : memref<100096x16xf32, #tpu.memory_space<vmem_shared>> -> memref<512x16xf32, #tpu.memory_space<vmem_shared>>
      %dma_start3A_136 = arith.constant 0 : i32
      %dma_start3A_137 = tpu.memref_slice %arg9[%add3A_18, %dma_start3A_136] : memref<100096x16xf32, #tpu.memory_space<vmem_shared>> -> memref<512x16xf32, #tpu.memory_space<vmem_shared>>
      tpu.enqueue_dma source(%arg13 : memref<512x16xf32, #tpu.memory_space<vmem>>) target(%dma_start3A_137 : memref<512x16xf32, #tpu.memory_space<vmem_shared>>) target_semaphore(%run_scoped3A : memref<!tpu.dma_semaphore, #tpu.memory_space<semaphore_mem>>)
      %dma_wait3A = arith.constant 0 : i32
      %dma_wait3A_138 = tpu.memref_slice %arg9[%add3A_18, %dma_wait3A] : memref<100096x16xf32, #tpu.memory_space<vmem_shared>> -> memref<512x16xf32, #tpu.memory_space<vmem_shared>>
      %dma_wait3A_139 = arith.constant 0 : i32
      %dma_wait3A_140 = tpu.memref_slice %arg9[%add3A_18, %dma_wait3A_139] : memref<100096x16xf32, #tpu.memory_space<vmem_shared>> -> memref<512x16xf32, #tpu.memory_space<vmem_shared>>
      tpu.wait_dma2 semaphore(%run_scoped3A : memref<!tpu.dma_semaphore, #tpu.memory_space<semaphore_mem>>) src(%arg13 : memref<512x16xf32, #tpu.memory_space<vmem>>) dst(%dma_wait3A_140 : memref<512x16xf32, #tpu.memory_space<vmem_shared>>)
      tpu.yield
    }) : () -> ()
    %mul3A_19 = arith.constant 6256 : i32
    %mul3A_20 = arith.muli %arg1, %mul3A_19 : i32
    %add3A_21 = arith.constant 0 : i32
    %add3A_22 = arith.addi %mul3A_20, %add3A_21 : i32
    "tpu.region"() ({
      %run_scoped3A = tpu.sem_alloc : memref<!tpu.dma_semaphore, #tpu.memory_space<semaphore_mem>>
      %dma_start3A = tpu.memref_slice %arg10[%add3A_22] : memref<100096xf32, #tpu.memory_space<vmem_shared>> -> memref<512xf32, #tpu.memory_space<vmem_shared>>
      %dma_start3A_135 = tpu.memref_slice %arg10[%add3A_22] : memref<100096xf32, #tpu.memory_space<vmem_shared>> -> memref<512xf32, #tpu.memory_space<vmem_shared>>
      tpu.enqueue_dma source(%arg15 : memref<512xf32, #tpu.memory_space<vmem>>) target(%dma_start3A_135 : memref<512xf32, #tpu.memory_space<vmem_shared>>) target_semaphore(%run_scoped3A : memref<!tpu.dma_semaphore, #tpu.memory_space<semaphore_mem>>)
      %dma_wait3A = tpu.memref_slice %arg10[%add3A_22] : memref<100096xf32, #tpu.memory_space<vmem_shared>> -> memref<512xf32, #tpu.memory_space<vmem_shared>>
      %dma_wait3A_136 = tpu.memref_slice %arg10[%add3A_22] : memref<100096xf32, #tpu.memory_space<vmem_shared>> -> memref<512xf32, #tpu.memory_space<vmem_shared>>
      tpu.wait_dma2 semaphore(%run_scoped3A : memref<!tpu.dma_semaphore, #tpu.memory_space<semaphore_mem>>) src(%arg15 : memref<512xf32, #tpu.memory_space<vmem>>) dst(%dma_wait3A_136 : memref<512xf32, #tpu.memory_space<vmem_shared>>)
      tpu.yield
    }) : () -> ()
    %mul3A_23 = arith.constant 6256 : i32
    %mul3A_24 = arith.muli %arg1, %mul3A_23 : i32
    %add3A_25 = arith.constant 512 : i32
    %add3A_26 = arith.addi %mul3A_24, %add3A_25 : i32
    "tpu.region"() ({
      %run_scoped3A = tpu.sem_alloc : memref<!tpu.dma_semaphore, #tpu.memory_space<semaphore_mem>>
      %dma_start3A = arith.constant 0 : i32
      %dma_start3A_135 = tpu.memref_slice %arg9[%add3A_26, %dma_start3A] : memref<100096x16xf32, #tpu.memory_space<vmem_shared>> -> memref<512x16xf32, #tpu.memory_space<vmem_shared>>
      %dma_start3A_136 = arith.constant 0 : i32
      %dma_start3A_137 = tpu.memref_slice %arg9[%add3A_26, %dma_start3A_136] : memref<100096x16xf32, #tpu.memory_space<vmem_shared>> -> memref<512x16xf32, #tpu.memory_space<vmem_shared>>
      tpu.enqueue_dma source(%arg13 : memref<512x16xf32, #tpu.memory_space<vmem>>) target(%dma_start3A_137 : memref<512x16xf32, #tpu.memory_space<vmem_shared>>) target_semaphore(%run_scoped3A : memref<!tpu.dma_semaphore, #tpu.memory_space<semaphore_mem>>)
      %dma_wait3A = arith.constant 0 : i32
      %dma_wait3A_138 = tpu.memref_slice %arg9[%add3A_26, %dma_wait3A] : memref<100096x16xf32, #tpu.memory_space<vmem_shared>> -> memref<512x16xf32, #tpu.memory_space<vmem_shared>>
      %dma_wait3A_139 = arith.constant 0 : i32
      %dma_wait3A_140 = tpu.memref_slice %arg9[%add3A_26, %dma_wait3A_139] : memref<100096x16xf32, #tpu.memory_space<vmem_shared>> -> memref<512x16xf32, #tpu.memory_space<vmem_shared>>
      tpu.wait_dma2 semaphore(%run_scoped3A : memref<!tpu.dma_semaphore, #tpu.memory_space<semaphore_mem>>) src(%arg13 : memref<512x16xf32, #tpu.memory_space<vmem>>) dst(%dma_wait3A_140 : memref<512x16xf32, #tpu.memory_space<vmem_shared>>)
      tpu.yield
    }) : () -> ()
    %mul3A_27 = arith.constant 6256 : i32
    %mul3A_28 = arith.muli %arg1, %mul3A_27 : i32
    %add3A_29 = arith.constant 512 : i32
    %add3A_30 = arith.addi %mul3A_28, %add3A_29 : i32
    "tpu.region"() ({
      %run_scoped3A = tpu.sem_alloc : memref<!tpu.dma_semaphore, #tpu.memory_space<semaphore_mem>>
      %dma_start3A = tpu.memref_slice %arg10[%add3A_30] : memref<100096xf32, #tpu.memory_space<vmem_shared>> -> memref<512xf32, #tpu.memory_space<vmem_shared>>
      %dma_start3A_135 = tpu.memref_slice %arg10[%add3A_30] : memref<100096xf32, #tpu.memory_space<vmem_shared>> -> memref<512xf32, #tpu.memory_space<vmem_shared>>
      tpu.enqueue_dma source(%arg15 : memref<512xf32, #tpu.memory_space<vmem>>) target(%dma_start3A_135 : memref<512xf32, #tpu.memory_space<vmem_shared>>) target_semaphore(%run_scoped3A : memref<!tpu.dma_semaphore, #tpu.memory_space<semaphore_mem>>)
      %dma_wait3A = tpu.memref_slice %arg10[%add3A_30] : memref<100096xf32, #tpu.memory_space<vmem_shared>> -> memref<512xf32, #tpu.memory_space<vmem_shared>>
      %dma_wait3A_136 = tpu.memref_slice %arg10[%add3A_30] : memref<100096xf32, #tpu.memory_space<vmem_shared>> -> memref<512xf32, #tpu.memory_space<vmem_shared>>
      tpu.wait_dma2 semaphore(%run_scoped3A : memref<!tpu.dma_semaphore, #tpu.memory_space<semaphore_mem>>) src(%arg15 : memref<512xf32, #tpu.memory_space<vmem>>) dst(%dma_wait3A_136 : memref<512xf32, #tpu.memory_space<vmem_shared>>)
      tpu.yield
    }) : () -> ()
    %mul3A_31 = arith.constant 6256 : i32
    %mul3A_32 = arith.muli %arg1, %mul3A_31 : i32
    %add3A_33 = arith.constant 1024 : i32
    %add3A_34 = arith.addi %mul3A_32, %add3A_33 : i32
    "tpu.region"() ({
      %run_scoped3A = tpu.sem_alloc : memref<!tpu.dma_semaphore, #tpu.memory_space<semaphore_mem>>
      %dma_start3A = arith.constant 0 : i32
      %dma_start3A_135 = tpu.memref_slice %arg9[%add3A_34, %dma_start3A] : memref<100096x16xf32, #tpu.memory_space<vmem_shared>> -> memref<512x16xf32, #tpu.memory_space<vmem_shared>>
      %dma_start3A_136 = arith.constant 0 : i32
      %dma_start3A_137 = tpu.memref_slice %arg9[%add3A_34, %dma_start3A_136] : memref<100096x16xf32, #tpu.memory_space<vmem_shared>> -> memref<512x16xf32, #tpu.memory_space<vmem_shared>>
      tpu.enqueue_dma source(%arg13 : memref<512x16xf32, #tpu.memory_space<vmem>>) target(%dma_start3A_137 : memref<512x16xf32, #tpu.memory_space<vmem_shared>>) target_semaphore(%run_scoped3A : memref<!tpu.dma_semaphore, #tpu.memory_space<semaphore_mem>>)
      %dma_wait3A = arith.constant 0 : i32
      %dma_wait3A_138 = tpu.memref_slice %arg9[%add3A_34, %dma_wait3A] : memref<100096x16xf32, #tpu.memory_space<vmem_shared>> -> memref<512x16xf32, #tpu.memory_space<vmem_shared>>
      %dma_wait3A_139 = arith.constant 0 : i32
      %dma_wait3A_140 = tpu.memref_slice %arg9[%add3A_34, %dma_wait3A_139] : memref<100096x16xf32, #tpu.memory_space<vmem_shared>> -> memref<512x16xf32, #tpu.memory_space<vmem_shared>>
      tpu.wait_dma2 semaphore(%run_scoped3A : memref<!tpu.dma_semaphore, #tpu.memory_space<semaphore_mem>>) src(%arg13 : memref<512x16xf32, #tpu.memory_space<vmem>>) dst(%dma_wait3A_140 : memref<512x16xf32, #tpu.memory_space<vmem_shared>>)
      tpu.yield
    }) : () -> ()
    %mul3A_35 = arith.constant 6256 : i32
    %mul3A_36 = arith.muli %arg1, %mul3A_35 : i32
    %add3A_37 = arith.constant 1024 : i32
    %add3A_38 = arith.addi %mul3A_36, %add3A_37 : i32
    "tpu.region"() ({
      %run_scoped3A = tpu.sem_alloc : memref<!tpu.dma_semaphore, #tpu.memory_space<semaphore_mem>>
      %dma_start3A = tpu.memref_slice %arg10[%add3A_38] : memref<100096xf32, #tpu.memory_space<vmem_shared>> -> memref<512xf32, #tpu.memory_space<vmem_shared>>
      %dma_start3A_135 = tpu.memref_slice %arg10[%add3A_38] : memref<100096xf32, #tpu.memory_space<vmem_shared>> -> memref<512xf32, #tpu.memory_space<vmem_shared>>
      tpu.enqueue_dma source(%arg15 : memref<512xf32, #tpu.memory_space<vmem>>) target(%dma_start3A_135 : memref<512xf32, #tpu.memory_space<vmem_shared>>) target_semaphore(%run_scoped3A : memref<!tpu.dma_semaphore, #tpu.memory_space<semaphore_mem>>)
      %dma_wait3A = tpu.memref_slice %arg10[%add3A_38] : memref<100096xf32, #tpu.memory_space<vmem_shared>> -> memref<512xf32, #tpu.memory_space<vmem_shared>>
      %dma_wait3A_136 = tpu.memref_slice %arg10[%add3A_38] : memref<100096xf32, #tpu.memory_space<vmem_shared>> -> memref<512xf32, #tpu.memory_space<vmem_shared>>
      tpu.wait_dma2 semaphore(%run_scoped3A : memref<!tpu.dma_semaphore, #tpu.memory_space<semaphore_mem>>) src(%arg15 : memref<512xf32, #tpu.memory_space<vmem>>) dst(%dma_wait3A_136 : memref<512xf32, #tpu.memory_space<vmem_shared>>)
      tpu.yield
    }) : () -> ()
    %mul3A_39 = arith.constant 6256 : i32
    %mul3A_40 = arith.muli %arg1, %mul3A_39 : i32
    %add3A_41 = arith.constant 1536 : i32
    %add3A_42 = arith.addi %mul3A_40, %add3A_41 : i32
    "tpu.region"() ({
      %run_scoped3A = tpu.sem_alloc : memref<!tpu.dma_semaphore, #tpu.memory_space<semaphore_mem>>
      %dma_start3A = arith.constant 0 : i32
      %dma_start3A_135 = tpu.memref_slice %arg9[%add3A_42, %dma_start3A] : memref<100096x16xf32, #tpu.memory_space<vmem_shared>> -> memref<512x16xf32, #tpu.memory_space<vmem_shared>>
      %dma_start3A_136 = arith.constant 0 : i32
      %dma_start3A_137 = tpu.memref_slice %arg9[%add3A_42, %dma_start3A_136] : memref<100096x16xf32, #tpu.memory_space<vmem_shared>> -> memref<512x16xf32, #tpu.memory_space<vmem_shared>>
      tpu.enqueue_dma source(%arg13 : memref<512x16xf32, #tpu.memory_space<vmem>>) target(%dma_start3A_137 : memref<512x16xf32, #tpu.memory_space<vmem_shared>>) target_semaphore(%run_scoped3A : memref<!tpu.dma_semaphore, #tpu.memory_space<semaphore_mem>>)
      %dma_wait3A = arith.constant 0 : i32
      %dma_wait3A_138 = tpu.memref_slice %arg9[%add3A_42, %dma_wait3A] : memref<100096x16xf32, #tpu.memory_space<vmem_shared>> -> memref<512x16xf32, #tpu.memory_space<vmem_shared>>
      %dma_wait3A_139 = arith.constant 0 : i32
      %dma_wait3A_140 = tpu.memref_slice %arg9[%add3A_42, %dma_wait3A_139] : memref<100096x16xf32, #tpu.memory_space<vmem_shared>> -> memref<512x16xf32, #tpu.memory_space<vmem_shared>>
      tpu.wait_dma2 semaphore(%run_scoped3A : memref<!tpu.dma_semaphore, #tpu.memory_space<semaphore_mem>>) src(%arg13 : memref<512x16xf32, #tpu.memory_space<vmem>>) dst(%dma_wait3A_140 : memref<512x16xf32, #tpu.memory_space<vmem_shared>>)
      tpu.yield
    }) : () -> ()
    %mul3A_43 = arith.constant 6256 : i32
    %mul3A_44 = arith.muli %arg1, %mul3A_43 : i32
    %add3A_45 = arith.constant 1536 : i32
    %add3A_46 = arith.addi %mul3A_44, %add3A_45 : i32
    "tpu.region"() ({
      %run_scoped3A = tpu.sem_alloc : memref<!tpu.dma_semaphore, #tpu.memory_space<semaphore_mem>>
      %dma_start3A = tpu.memref_slice %arg10[%add3A_46] : memref<100096xf32, #tpu.memory_space<vmem_shared>> -> memref<512xf32, #tpu.memory_space<vmem_shared>>
      %dma_start3A_135 = tpu.memref_slice %arg10[%add3A_46] : memref<100096xf32, #tpu.memory_space<vmem_shared>> -> memref<512xf32, #tpu.memory_space<vmem_shared>>
      tpu.enqueue_dma source(%arg15 : memref<512xf32, #tpu.memory_space<vmem>>) target(%dma_start3A_135 : memref<512xf32, #tpu.memory_space<vmem_shared>>) target_semaphore(%run_scoped3A : memref<!tpu.dma_semaphore, #tpu.memory_space<semaphore_mem>>)
      %dma_wait3A = tpu.memref_slice %arg10[%add3A_46] : memref<100096xf32, #tpu.memory_space<vmem_shared>> -> memref<512xf32, #tpu.memory_space<vmem_shared>>
      %dma_wait3A_136 = tpu.memref_slice %arg10[%add3A_46] : memref<100096xf32, #tpu.memory_space<vmem_shared>> -> memref<512xf32, #tpu.memory_space<vmem_shared>>
      tpu.wait_dma2 semaphore(%run_scoped3A : memref<!tpu.dma_semaphore, #tpu.memory_space<semaphore_mem>>) src(%arg15 : memref<512xf32, #tpu.memory_space<vmem>>) dst(%dma_wait3A_136 : memref<512xf32, #tpu.memory_space<vmem_shared>>)
      tpu.yield
    }) : () -> ()
    %mul3A_47 = arith.constant 6256 : i32
    %mul3A_48 = arith.muli %arg1, %mul3A_47 : i32
    %add3A_49 = arith.constant 2048 : i32
    %add3A_50 = arith.addi %mul3A_48, %add3A_49 : i32
    "tpu.region"() ({
      %run_scoped3A = tpu.sem_alloc : memref<!tpu.dma_semaphore, #tpu.memory_space<semaphore_mem>>
      %dma_start3A = arith.constant 0 : i32
      %dma_start3A_135 = tpu.memref_slice %arg9[%add3A_50, %dma_start3A] : memref<100096x16xf32, #tpu.memory_space<vmem_shared>> -> memref<512x16xf32, #tpu.memory_space<vmem_shared>>
      %dma_start3A_136 = arith.constant 0 : i32
      %dma_start3A_137 = tpu.memref_slice %arg9[%add3A_50, %dma_start3A_136] : memref<100096x16xf32, #tpu.memory_space<vmem_shared>> -> memref<512x16xf32, #tpu.memory_space<vmem_shared>>
      tpu.enqueue_dma source(%arg13 : memref<512x16xf32, #tpu.memory_space<vmem>>) target(%dma_start3A_137 : memref<512x16xf32, #tpu.memory_space<vmem_shared>>) target_semaphore(%run_scoped3A : memref<!tpu.dma_semaphore, #tpu.memory_space<semaphore_mem>>)
      %dma_wait3A = arith.constant 0 : i32
      %dma_wait3A_138 = tpu.memref_slice %arg9[%add3A_50, %dma_wait3A] : memref<100096x16xf32, #tpu.memory_space<vmem_shared>> -> memref<512x16xf32, #tpu.memory_space<vmem_shared>>
      %dma_wait3A_139 = arith.constant 0 : i32
      %dma_wait3A_140 = tpu.memref_slice %arg9[%add3A_50, %dma_wait3A_139] : memref<100096x16xf32, #tpu.memory_space<vmem_shared>> -> memref<512x16xf32, #tpu.memory_space<vmem_shared>>
      tpu.wait_dma2 semaphore(%run_scoped3A : memref<!tpu.dma_semaphore, #tpu.memory_space<semaphore_mem>>) src(%arg13 : memref<512x16xf32, #tpu.memory_space<vmem>>) dst(%dma_wait3A_140 : memref<512x16xf32, #tpu.memory_space<vmem_shared>>)
      tpu.yield
    }) : () -> ()
    %mul3A_51 = arith.constant 6256 : i32
    %mul3A_52 = arith.muli %arg1, %mul3A_51 : i32
    %add3A_53 = arith.constant 2048 : i32
    %add3A_54 = arith.addi %mul3A_52, %add3A_53 : i32
    "tpu.region"() ({
      %run_scoped3A = tpu.sem_alloc : memref<!tpu.dma_semaphore, #tpu.memory_space<semaphore_mem>>
      %dma_start3A = tpu.memref_slice %arg10[%add3A_54] : memref<100096xf32, #tpu.memory_space<vmem_shared>> -> memref<512xf32, #tpu.memory_space<vmem_shared>>
      %dma_start3A_135 = tpu.memref_slice %arg10[%add3A_54] : memref<100096xf32, #tpu.memory_space<vmem_shared>> -> memref<512xf32, #tpu.memory_space<vmem_shared>>
      tpu.enqueue_dma source(%arg15 : memref<512xf32, #tpu.memory_space<vmem>>) target(%dma_start3A_135 : memref<512xf32, #tpu.memory_space<vmem_shared>>) target_semaphore(%run_scoped3A : memref<!tpu.dma_semaphore, #tpu.memory_space<semaphore_mem>>)
      %dma_wait3A = tpu.memref_slice %arg10[%add3A_54] : memref<100096xf32, #tpu.memory_space<vmem_shared>> -> memref<512xf32, #tpu.memory_space<vmem_shared>>
      %dma_wait3A_136 = tpu.memref_slice %arg10[%add3A_54] : memref<100096xf32, #tpu.memory_space<vmem_shared>> -> memref<512xf32, #tpu.memory_space<vmem_shared>>
      tpu.wait_dma2 semaphore(%run_scoped3A : memref<!tpu.dma_semaphore, #tpu.memory_space<semaphore_mem>>) src(%arg15 : memref<512xf32, #tpu.memory_space<vmem>>) dst(%dma_wait3A_136 : memref<512xf32, #tpu.memory_space<vmem_shared>>)
      tpu.yield
    }) : () -> ()
    %mul3A_55 = arith.constant 6256 : i32
    %mul3A_56 = arith.muli %arg1, %mul3A_55 : i32
    %add3A_57 = arith.constant 2560 : i32
    %add3A_58 = arith.addi %mul3A_56, %add3A_57 : i32
    "tpu.region"() ({
      %run_scoped3A = tpu.sem_alloc : memref<!tpu.dma_semaphore, #tpu.memory_space<semaphore_mem>>
      %dma_start3A = arith.constant 0 : i32
      %dma_start3A_135 = tpu.memref_slice %arg9[%add3A_58, %dma_start3A] : memref<100096x16xf32, #tpu.memory_space<vmem_shared>> -> memref<512x16xf32, #tpu.memory_space<vmem_shared>>
      %dma_start3A_136 = arith.constant 0 : i32
      %dma_start3A_137 = tpu.memref_slice %arg9[%add3A_58, %dma_start3A_136] : memref<100096x16xf32, #tpu.memory_space<vmem_shared>> -> memref<512x16xf32, #tpu.memory_space<vmem_shared>>
      tpu.enqueue_dma source(%arg13 : memref<512x16xf32, #tpu.memory_space<vmem>>) target(%dma_start3A_137 : memref<512x16xf32, #tpu.memory_space<vmem_shared>>) target_semaphore(%run_scoped3A : memref<!tpu.dma_semaphore, #tpu.memory_space<semaphore_mem>>)
      %dma_wait3A = arith.constant 0 : i32
      %dma_wait3A_138 = tpu.memref_slice %arg9[%add3A_58, %dma_wait3A] : memref<100096x16xf32, #tpu.memory_space<vmem_shared>> -> memref<512x16xf32, #tpu.memory_space<vmem_shared>>
      %dma_wait3A_139 = arith.constant 0 : i32
      %dma_wait3A_140 = tpu.memref_slice %arg9[%add3A_58, %dma_wait3A_139] : memref<100096x16xf32, #tpu.memory_space<vmem_shared>> -> memref<512x16xf32, #tpu.memory_space<vmem_shared>>
      tpu.wait_dma2 semaphore(%run_scoped3A : memref<!tpu.dma_semaphore, #tpu.memory_space<semaphore_mem>>) src(%arg13 : memref<512x16xf32, #tpu.memory_space<vmem>>) dst(%dma_wait3A_140 : memref<512x16xf32, #tpu.memory_space<vmem_shared>>)
      tpu.yield
    }) : () -> ()
    %mul3A_59 = arith.constant 6256 : i32
    %mul3A_60 = arith.muli %arg1, %mul3A_59 : i32
    %add3A_61 = arith.constant 2560 : i32
    %add3A_62 = arith.addi %mul3A_60, %add3A_61 : i32
    "tpu.region"() ({
      %run_scoped3A = tpu.sem_alloc : memref<!tpu.dma_semaphore, #tpu.memory_space<semaphore_mem>>
      %dma_start3A = tpu.memref_slice %arg10[%add3A_62] : memref<100096xf32, #tpu.memory_space<vmem_shared>> -> memref<512xf32, #tpu.memory_space<vmem_shared>>
      %dma_start3A_135 = tpu.memref_slice %arg10[%add3A_62] : memref<100096xf32, #tpu.memory_space<vmem_shared>> -> memref<512xf32, #tpu.memory_space<vmem_shared>>
      tpu.enqueue_dma source(%arg15 : memref<512xf32, #tpu.memory_space<vmem>>) target(%dma_start3A_135 : memref<512xf32, #tpu.memory_space<vmem_shared>>) target_semaphore(%run_scoped3A : memref<!tpu.dma_semaphore, #tpu.memory_space<semaphore_mem>>)
      %dma_wait3A = tpu.memref_slice %arg10[%add3A_62] : memref<100096xf32, #tpu.memory_space<vmem_shared>> -> memref<512xf32, #tpu.memory_space<vmem_shared>>
      %dma_wait3A_136 = tpu.memref_slice %arg10[%add3A_62] : memref<100096xf32, #tpu.memory_space<vmem_shared>> -> memref<512xf32, #tpu.memory_space<vmem_shared>>
      tpu.wait_dma2 semaphore(%run_scoped3A : memref<!tpu.dma_semaphore, #tpu.memory_space<semaphore_mem>>) src(%arg15 : memref<512xf32, #tpu.memory_space<vmem>>) dst(%dma_wait3A_136 : memref<512xf32, #tpu.memory_space<vmem_shared>>)
      tpu.yield
    }) : () -> ()
    %mul3A_63 = arith.constant 6256 : i32
    %mul3A_64 = arith.muli %arg1, %mul3A_63 : i32
    %add3A_65 = arith.constant 3072 : i32
    %add3A_66 = arith.addi %mul3A_64, %add3A_65 : i32
    "tpu.region"() ({
      %run_scoped3A = tpu.sem_alloc : memref<!tpu.dma_semaphore, #tpu.memory_space<semaphore_mem>>
      %dma_start3A = arith.constant 0 : i32
      %dma_start3A_135 = tpu.memref_slice %arg9[%add3A_66, %dma_start3A] : memref<100096x16xf32, #tpu.memory_space<vmem_shared>> -> memref<512x16xf32, #tpu.memory_space<vmem_shared>>
      %dma_start3A_136 = arith.constant 0 : i32
      %dma_start3A_137 = tpu.memref_slice %arg9[%add3A_66, %dma_start3A_136] : memref<100096x16xf32, #tpu.memory_space<vmem_shared>> -> memref<512x16xf32, #tpu.memory_space<vmem_shared>>
      tpu.enqueue_dma source(%arg13 : memref<512x16xf32, #tpu.memory_space<vmem>>) target(%dma_start3A_137 : memref<512x16xf32, #tpu.memory_space<vmem_shared>>) target_semaphore(%run_scoped3A : memref<!tpu.dma_semaphore, #tpu.memory_space<semaphore_mem>>)
      %dma_wait3A = arith.constant 0 : i32
      %dma_wait3A_138 = tpu.memref_slice %arg9[%add3A_66, %dma_wait3A] : memref<100096x16xf32, #tpu.memory_space<vmem_shared>> -> memref<512x16xf32, #tpu.memory_space<vmem_shared>>
      %dma_wait3A_139 = arith.constant 0 : i32
      %dma_wait3A_140 = tpu.memref_slice %arg9[%add3A_66, %dma_wait3A_139] : memref<100096x16xf32, #tpu.memory_space<vmem_shared>> -> memref<512x16xf32, #tpu.memory_space<vmem_shared>>
      tpu.wait_dma2 semaphore(%run_scoped3A : memref<!tpu.dma_semaphore, #tpu.memory_space<semaphore_mem>>) src(%arg13 : memref<512x16xf32, #tpu.memory_space<vmem>>) dst(%dma_wait3A_140 : memref<512x16xf32, #tpu.memory_space<vmem_shared>>)
      tpu.yield
    }) : () -> ()
    %mul3A_67 = arith.constant 6256 : i32
    %mul3A_68 = arith.muli %arg1, %mul3A_67 : i32
    %add3A_69 = arith.constant 3072 : i32
    %add3A_70 = arith.addi %mul3A_68, %add3A_69 : i32
    "tpu.region"() ({
      %run_scoped3A = tpu.sem_alloc : memref<!tpu.dma_semaphore, #tpu.memory_space<semaphore_mem>>
      %dma_start3A = tpu.memref_slice %arg10[%add3A_70] : memref<100096xf32, #tpu.memory_space<vmem_shared>> -> memref<512xf32, #tpu.memory_space<vmem_shared>>
      %dma_start3A_135 = tpu.memref_slice %arg10[%add3A_70] : memref<100096xf32, #tpu.memory_space<vmem_shared>> -> memref<512xf32, #tpu.memory_space<vmem_shared>>
      tpu.enqueue_dma source(%arg15 : memref<512xf32, #tpu.memory_space<vmem>>) target(%dma_start3A_135 : memref<512xf32, #tpu.memory_space<vmem_shared>>) target_semaphore(%run_scoped3A : memref<!tpu.dma_semaphore, #tpu.memory_space<semaphore_mem>>)
      %dma_wait3A = tpu.memref_slice %arg10[%add3A_70] : memref<100096xf32, #tpu.memory_space<vmem_shared>> -> memref<512xf32, #tpu.memory_space<vmem_shared>>
      %dma_wait3A_136 = tpu.memref_slice %arg10[%add3A_70] : memref<100096xf32, #tpu.memory_space<vmem_shared>> -> memref<512xf32, #tpu.memory_space<vmem_shared>>
      tpu.wait_dma2 semaphore(%run_scoped3A : memref<!tpu.dma_semaphore, #tpu.memory_space<semaphore_mem>>) src(%arg15 : memref<512xf32, #tpu.memory_space<vmem>>) dst(%dma_wait3A_136 : memref<512xf32, #tpu.memory_space<vmem_shared>>)
      tpu.yield
    }) : () -> ()
    %mul3A_71 = arith.constant 6256 : i32
    %mul3A_72 = arith.muli %arg1, %mul3A_71 : i32
    %add3A_73 = arith.constant 3584 : i32
    %add3A_74 = arith.addi %mul3A_72, %add3A_73 : i32
    "tpu.region"() ({
      %run_scoped3A = tpu.sem_alloc : memref<!tpu.dma_semaphore, #tpu.memory_space<semaphore_mem>>
      %dma_start3A = arith.constant 0 : i32
      %dma_start3A_135 = tpu.memref_slice %arg9[%add3A_74, %dma_start3A] : memref<100096x16xf32, #tpu.memory_space<vmem_shared>> -> memref<512x16xf32, #tpu.memory_space<vmem_shared>>
      %dma_start3A_136 = arith.constant 0 : i32
      %dma_start3A_137 = tpu.memref_slice %arg9[%add3A_74, %dma_start3A_136] : memref<100096x16xf32, #tpu.memory_space<vmem_shared>> -> memref<512x16xf32, #tpu.memory_space<vmem_shared>>
      tpu.enqueue_dma source(%arg13 : memref<512x16xf32, #tpu.memory_space<vmem>>) target(%dma_start3A_137 : memref<512x16xf32, #tpu.memory_space<vmem_shared>>) target_semaphore(%run_scoped3A : memref<!tpu.dma_semaphore, #tpu.memory_space<semaphore_mem>>)
      %dma_wait3A = arith.constant 0 : i32
      %dma_wait3A_138 = tpu.memref_slice %arg9[%add3A_74, %dma_wait3A] : memref<100096x16xf32, #tpu.memory_space<vmem_shared>> -> memref<512x16xf32, #tpu.memory_space<vmem_shared>>
      %dma_wait3A_139 = arith.constant 0 : i32
      %dma_wait3A_140 = tpu.memref_slice %arg9[%add3A_74, %dma_wait3A_139] : memref<100096x16xf32, #tpu.memory_space<vmem_shared>> -> memref<512x16xf32, #tpu.memory_space<vmem_shared>>
      tpu.wait_dma2 semaphore(%run_scoped3A : memref<!tpu.dma_semaphore, #tpu.memory_space<semaphore_mem>>) src(%arg13 : memref<512x16xf32, #tpu.memory_space<vmem>>) dst(%dma_wait3A_140 : memref<512x16xf32, #tpu.memory_space<vmem_shared>>)
      tpu.yield
    }) : () -> ()
    %mul3A_75 = arith.constant 6256 : i32
    %mul3A_76 = arith.muli %arg1, %mul3A_75 : i32
    %add3A_77 = arith.constant 3584 : i32
    %add3A_78 = arith.addi %mul3A_76, %add3A_77 : i32
    "tpu.region"() ({
      %run_scoped3A = tpu.sem_alloc : memref<!tpu.dma_semaphore, #tpu.memory_space<semaphore_mem>>
      %dma_start3A = tpu.memref_slice %arg10[%add3A_78] : memref<100096xf32, #tpu.memory_space<vmem_shared>> -> memref<512xf32, #tpu.memory_space<vmem_shared>>
      %dma_start3A_135 = tpu.memref_slice %arg10[%add3A_78] : memref<100096xf32, #tpu.memory_space<vmem_shared>> -> memref<512xf32, #tpu.memory_space<vmem_shared>>
      tpu.enqueue_dma source(%arg15 : memref<512xf32, #tpu.memory_space<vmem>>) target(%dma_start3A_135 : memref<512xf32, #tpu.memory_space<vmem_shared>>) target_semaphore(%run_scoped3A : memref<!tpu.dma_semaphore, #tpu.memory_space<semaphore_mem>>)
      %dma_wait3A = tpu.memref_slice %arg10[%add3A_78] : memref<100096xf32, #tpu.memory_space<vmem_shared>> -> memref<512xf32, #tpu.memory_space<vmem_shared>>
      %dma_wait3A_136 = tpu.memref_slice %arg10[%add3A_78] : memref<100096xf32, #tpu.memory_space<vmem_shared>> -> memref<512xf32, #tpu.memory_space<vmem_shared>>
      tpu.wait_dma2 semaphore(%run_scoped3A : memref<!tpu.dma_semaphore, #tpu.memory_space<semaphore_mem>>) src(%arg15 : memref<512xf32, #tpu.memory_space<vmem>>) dst(%dma_wait3A_136 : memref<512xf32, #tpu.memory_space<vmem_shared>>)
      tpu.yield
    }) : () -> ()
    %mul3A_79 = arith.constant 6256 : i32
    %mul3A_80 = arith.muli %arg1, %mul3A_79 : i32
    %add3A_81 = arith.constant 4096 : i32
    %add3A_82 = arith.addi %mul3A_80, %add3A_81 : i32
    "tpu.region"() ({
      %run_scoped3A = tpu.sem_alloc : memref<!tpu.dma_semaphore, #tpu.memory_space<semaphore_mem>>
      %dma_start3A = arith.constant 0 : i32
      %dma_start3A_135 = tpu.memref_slice %arg9[%add3A_82, %dma_start3A] : memref<100096x16xf32, #tpu.memory_space<vmem_shared>> -> memref<512x16xf32, #tpu.memory_space<vmem_shared>>
      %dma_start3A_136 = arith.constant 0 : i32
      %dma_start3A_137 = tpu.memref_slice %arg9[%add3A_82, %dma_start3A_136] : memref<100096x16xf32, #tpu.memory_space<vmem_shared>> -> memref<512x16xf32, #tpu.memory_space<vmem_shared>>
      tpu.enqueue_dma source(%arg13 : memref<512x16xf32, #tpu.memory_space<vmem>>) target(%dma_start3A_137 : memref<512x16xf32, #tpu.memory_space<vmem_shared>>) target_semaphore(%run_scoped3A : memref<!tpu.dma_semaphore, #tpu.memory_space<semaphore_mem>>)
      %dma_wait3A = arith.constant 0 : i32
      %dma_wait3A_138 = tpu.memref_slice %arg9[%add3A_82, %dma_wait3A] : memref<100096x16xf32, #tpu.memory_space<vmem_shared>> -> memref<512x16xf32, #tpu.memory_space<vmem_shared>>
      %dma_wait3A_139 = arith.constant 0 : i32
      %dma_wait3A_140 = tpu.memref_slice %arg9[%add3A_82, %dma_wait3A_139] : memref<100096x16xf32, #tpu.memory_space<vmem_shared>> -> memref<512x16xf32, #tpu.memory_space<vmem_shared>>
      tpu.wait_dma2 semaphore(%run_scoped3A : memref<!tpu.dma_semaphore, #tpu.memory_space<semaphore_mem>>) src(%arg13 : memref<512x16xf32, #tpu.memory_space<vmem>>) dst(%dma_wait3A_140 : memref<512x16xf32, #tpu.memory_space<vmem_shared>>)
      tpu.yield
    }) : () -> ()
    %mul3A_83 = arith.constant 6256 : i32
    %mul3A_84 = arith.muli %arg1, %mul3A_83 : i32
    %add3A_85 = arith.constant 4096 : i32
    %add3A_86 = arith.addi %mul3A_84, %add3A_85 : i32
    "tpu.region"() ({
      %run_scoped3A = tpu.sem_alloc : memref<!tpu.dma_semaphore, #tpu.memory_space<semaphore_mem>>
      %dma_start3A = tpu.memref_slice %arg10[%add3A_86] : memref<100096xf32, #tpu.memory_space<vmem_shared>> -> memref<512xf32, #tpu.memory_space<vmem_shared>>
      %dma_start3A_135 = tpu.memref_slice %arg10[%add3A_86] : memref<100096xf32, #tpu.memory_space<vmem_shared>> -> memref<512xf32, #tpu.memory_space<vmem_shared>>
      tpu.enqueue_dma source(%arg15 : memref<512xf32, #tpu.memory_space<vmem>>) target(%dma_start3A_135 : memref<512xf32, #tpu.memory_space<vmem_shared>>) target_semaphore(%run_scoped3A : memref<!tpu.dma_semaphore, #tpu.memory_space<semaphore_mem>>)
      %dma_wait3A = tpu.memref_slice %arg10[%add3A_86] : memref<100096xf32, #tpu.memory_space<vmem_shared>> -> memref<512xf32, #tpu.memory_space<vmem_shared>>
      %dma_wait3A_136 = tpu.memref_slice %arg10[%add3A_86] : memref<100096xf32, #tpu.memory_space<vmem_shared>> -> memref<512xf32, #tpu.memory_space<vmem_shared>>
      tpu.wait_dma2 semaphore(%run_scoped3A : memref<!tpu.dma_semaphore, #tpu.memory_space<semaphore_mem>>) src(%arg15 : memref<512xf32, #tpu.memory_space<vmem>>) dst(%dma_wait3A_136 : memref<512xf32, #tpu.memory_space<vmem_shared>>)
      tpu.yield
    }) : () -> ()
    %mul3A_87 = arith.constant 6256 : i32
    %mul3A_88 = arith.muli %arg1, %mul3A_87 : i32
    %add3A_89 = arith.constant 4608 : i32
    %add3A_90 = arith.addi %mul3A_88, %add3A_89 : i32
    "tpu.region"() ({
      %run_scoped3A = tpu.sem_alloc : memref<!tpu.dma_semaphore, #tpu.memory_space<semaphore_mem>>
      %dma_start3A = arith.constant 0 : i32
      %dma_start3A_135 = tpu.memref_slice %arg9[%add3A_90, %dma_start3A] : memref<100096x16xf32, #tpu.memory_space<vmem_shared>> -> memref<512x16xf32, #tpu.memory_space<vmem_shared>>
      %dma_start3A_136 = arith.constant 0 : i32
      %dma_start3A_137 = tpu.memref_slice %arg9[%add3A_90, %dma_start3A_136] : memref<100096x16xf32, #tpu.memory_space<vmem_shared>> -> memref<512x16xf32, #tpu.memory_space<vmem_shared>>
      tpu.enqueue_dma source(%arg13 : memref<512x16xf32, #tpu.memory_space<vmem>>) target(%dma_start3A_137 : memref<512x16xf32, #tpu.memory_space<vmem_shared>>) target_semaphore(%run_scoped3A : memref<!tpu.dma_semaphore, #tpu.memory_space<semaphore_mem>>)
      %dma_wait3A = arith.constant 0 : i32
      %dma_wait3A_138 = tpu.memref_slice %arg9[%add3A_90, %dma_wait3A] : memref<100096x16xf32, #tpu.memory_space<vmem_shared>> -> memref<512x16xf32, #tpu.memory_space<vmem_shared>>
      %dma_wait3A_139 = arith.constant 0 : i32
      %dma_wait3A_140 = tpu.memref_slice %arg9[%add3A_90, %dma_wait3A_139] : memref<100096x16xf32, #tpu.memory_space<vmem_shared>> -> memref<512x16xf32, #tpu.memory_space<vmem_shared>>
      tpu.wait_dma2 semaphore(%run_scoped3A : memref<!tpu.dma_semaphore, #tpu.memory_space<semaphore_mem>>) src(%arg13 : memref<512x16xf32, #tpu.memory_space<vmem>>) dst(%dma_wait3A_140 : memref<512x16xf32, #tpu.memory_space<vmem_shared>>)
      tpu.yield
    }) : () -> ()
    %mul3A_91 = arith.constant 6256 : i32
    %mul3A_92 = arith.muli %arg1, %mul3A_91 : i32
    %add3A_93 = arith.constant 4608 : i32
    %add3A_94 = arith.addi %mul3A_92, %add3A_93 : i32
    "tpu.region"() ({
      %run_scoped3A = tpu.sem_alloc : memref<!tpu.dma_semaphore, #tpu.memory_space<semaphore_mem>>
      %dma_start3A = tpu.memref_slice %arg10[%add3A_94] : memref<100096xf32, #tpu.memory_space<vmem_shared>> -> memref<512xf32, #tpu.memory_space<vmem_shared>>
      %dma_start3A_135 = tpu.memref_slice %arg10[%add3A_94] : memref<100096xf32, #tpu.memory_space<vmem_shared>> -> memref<512xf32, #tpu.memory_space<vmem_shared>>
      tpu.enqueue_dma source(%arg15 : memref<512xf32, #tpu.memory_space<vmem>>) target(%dma_start3A_135 : memref<512xf32, #tpu.memory_space<vmem_shared>>) target_semaphore(%run_scoped3A : memref<!tpu.dma_semaphore, #tpu.memory_space<semaphore_mem>>)
      %dma_wait3A = tpu.memref_slice %arg10[%add3A_94] : memref<100096xf32, #tpu.memory_space<vmem_shared>> -> memref<512xf32, #tpu.memory_space<vmem_shared>>
      %dma_wait3A_136 = tpu.memref_slice %arg10[%add3A_94] : memref<100096xf32, #tpu.memory_space<vmem_shared>> -> memref<512xf32, #tpu.memory_space<vmem_shared>>
      tpu.wait_dma2 semaphore(%run_scoped3A : memref<!tpu.dma_semaphore, #tpu.memory_space<semaphore_mem>>) src(%arg15 : memref<512xf32, #tpu.memory_space<vmem>>) dst(%dma_wait3A_136 : memref<512xf32, #tpu.memory_space<vmem_shared>>)
      tpu.yield
    }) : () -> ()
    %mul3A_95 = arith.constant 6256 : i32
    %mul3A_96 = arith.muli %arg1, %mul3A_95 : i32
    %add3A_97 = arith.constant 5120 : i32
    %add3A_98 = arith.addi %mul3A_96, %add3A_97 : i32
    "tpu.region"() ({
      %run_scoped3A = tpu.sem_alloc : memref<!tpu.dma_semaphore, #tpu.memory_space<semaphore_mem>>
      %dma_start3A = arith.constant 0 : i32
      %dma_start3A_135 = tpu.memref_slice %arg9[%add3A_98, %dma_start3A] : memref<100096x16xf32, #tpu.memory_space<vmem_shared>> -> memref<512x16xf32, #tpu.memory_space<vmem_shared>>
      %dma_start3A_136 = arith.constant 0 : i32
      %dma_start3A_137 = tpu.memref_slice %arg9[%add3A_98, %dma_start3A_136] : memref<100096x16xf32, #tpu.memory_space<vmem_shared>> -> memref<512x16xf32, #tpu.memory_space<vmem_shared>>
      tpu.enqueue_dma source(%arg13 : memref<512x16xf32, #tpu.memory_space<vmem>>) target(%dma_start3A_137 : memref<512x16xf32, #tpu.memory_space<vmem_shared>>) target_semaphore(%run_scoped3A : memref<!tpu.dma_semaphore, #tpu.memory_space<semaphore_mem>>)
      %dma_wait3A = arith.constant 0 : i32
      %dma_wait3A_138 = tpu.memref_slice %arg9[%add3A_98, %dma_wait3A] : memref<100096x16xf32, #tpu.memory_space<vmem_shared>> -> memref<512x16xf32, #tpu.memory_space<vmem_shared>>
      %dma_wait3A_139 = arith.constant 0 : i32
      %dma_wait3A_140 = tpu.memref_slice %arg9[%add3A_98, %dma_wait3A_139] : memref<100096x16xf32, #tpu.memory_space<vmem_shared>> -> memref<512x16xf32, #tpu.memory_space<vmem_shared>>
      tpu.wait_dma2 semaphore(%run_scoped3A : memref<!tpu.dma_semaphore, #tpu.memory_space<semaphore_mem>>) src(%arg13 : memref<512x16xf32, #tpu.memory_space<vmem>>) dst(%dma_wait3A_140 : memref<512x16xf32, #tpu.memory_space<vmem_shared>>)
      tpu.yield
    }) : () -> ()
    %mul3A_99 = arith.constant 6256 : i32
    %mul3A_100 = arith.muli %arg1, %mul3A_99 : i32
    %add3A_101 = arith.constant 5120 : i32
    %add3A_102 = arith.addi %mul3A_100, %add3A_101 : i32
    "tpu.region"() ({
      %run_scoped3A = tpu.sem_alloc : memref<!tpu.dma_semaphore, #tpu.memory_space<semaphore_mem>>
      %dma_start3A = tpu.memref_slice %arg10[%add3A_102] : memref<100096xf32, #tpu.memory_space<vmem_shared>> -> memref<512xf32, #tpu.memory_space<vmem_shared>>
      %dma_start3A_135 = tpu.memref_slice %arg10[%add3A_102] : memref<100096xf32, #tpu.memory_space<vmem_shared>> -> memref<512xf32, #tpu.memory_space<vmem_shared>>
      tpu.enqueue_dma source(%arg15 : memref<512xf32, #tpu.memory_space<vmem>>) target(%dma_start3A_135 : memref<512xf32, #tpu.memory_space<vmem_shared>>) target_semaphore(%run_scoped3A : memref<!tpu.dma_semaphore, #tpu.memory_space<semaphore_mem>>)
      %dma_wait3A = tpu.memref_slice %arg10[%add3A_102] : memref<100096xf32, #tpu.memory_space<vmem_shared>> -> memref<512xf32, #tpu.memory_space<vmem_shared>>
      %dma_wait3A_136 = tpu.memref_slice %arg10[%add3A_102] : memref<100096xf32, #tpu.memory_space<vmem_shared>> -> memref<512xf32, #tpu.memory_space<vmem_shared>>
      tpu.wait_dma2 semaphore(%run_scoped3A : memref<!tpu.dma_semaphore, #tpu.memory_space<semaphore_mem>>) src(%arg15 : memref<512xf32, #tpu.memory_space<vmem>>) dst(%dma_wait3A_136 : memref<512xf32, #tpu.memory_space<vmem_shared>>)
      tpu.yield
    }) : () -> ()
    %mul3A_103 = arith.constant 6256 : i32
    %mul3A_104 = arith.muli %arg1, %mul3A_103 : i32
    %add3A_105 = arith.constant 5632 : i32
    %add3A_106 = arith.addi %mul3A_104, %add3A_105 : i32
    "tpu.region"() ({
      %run_scoped3A = tpu.sem_alloc : memref<!tpu.dma_semaphore, #tpu.memory_space<semaphore_mem>>
      %dma_start3A = arith.constant 0 : i32
      %dma_start3A_135 = tpu.memref_slice %arg9[%add3A_106, %dma_start3A] : memref<100096x16xf32, #tpu.memory_space<vmem_shared>> -> memref<512x16xf32, #tpu.memory_space<vmem_shared>>
      %dma_start3A_136 = arith.constant 0 : i32
      %dma_start3A_137 = tpu.memref_slice %arg9[%add3A_106, %dma_start3A_136] : memref<100096x16xf32, #tpu.memory_space<vmem_shared>> -> memref<512x16xf32, #tpu.memory_space<vmem_shared>>
      tpu.enqueue_dma source(%arg13 : memref<512x16xf32, #tpu.memory_space<vmem>>) target(%dma_start3A_137 : memref<512x16xf32, #tpu.memory_space<vmem_shared>>) target_semaphore(%run_scoped3A : memref<!tpu.dma_semaphore, #tpu.memory_space<semaphore_mem>>)
      %dma_wait3A = arith.constant 0 : i32
      %dma_wait3A_138 = tpu.memref_slice %arg9[%add3A_106, %dma_wait3A] : memref<100096x16xf32, #tpu.memory_space<vmem_shared>> -> memref<512x16xf32, #tpu.memory_space<vmem_shared>>
      %dma_wait3A_139 = arith.constant 0 : i32
      %dma_wait3A_140 = tpu.memref_slice %arg9[%add3A_106, %dma_wait3A_139] : memref<100096x16xf32, #tpu.memory_space<vmem_shared>> -> memref<512x16xf32, #tpu.memory_space<vmem_shared>>
      tpu.wait_dma2 semaphore(%run_scoped3A : memref<!tpu.dma_semaphore, #tpu.memory_space<semaphore_mem>>) src(%arg13 : memref<512x16xf32, #tpu.memory_space<vmem>>) dst(%dma_wait3A_140 : memref<512x16xf32, #tpu.memory_space<vmem_shared>>)
      tpu.yield
    }) : () -> ()
    %mul3A_107 = arith.constant 6256 : i32
    %mul3A_108 = arith.muli %arg1, %mul3A_107 : i32
    %add3A_109 = arith.constant 5632 : i32
    %add3A_110 = arith.addi %mul3A_108, %add3A_109 : i32
    "tpu.region"() ({
      %run_scoped3A = tpu.sem_alloc : memref<!tpu.dma_semaphore, #tpu.memory_space<semaphore_mem>>
      %dma_start3A = tpu.memref_slice %arg10[%add3A_110] : memref<100096xf32, #tpu.memory_space<vmem_shared>> -> memref<512xf32, #tpu.memory_space<vmem_shared>>
      %dma_start3A_135 = tpu.memref_slice %arg10[%add3A_110] : memref<100096xf32, #tpu.memory_space<vmem_shared>> -> memref<512xf32, #tpu.memory_space<vmem_shared>>
      tpu.enqueue_dma source(%arg15 : memref<512xf32, #tpu.memory_space<vmem>>) target(%dma_start3A_135 : memref<512xf32, #tpu.memory_space<vmem_shared>>) target_semaphore(%run_scoped3A : memref<!tpu.dma_semaphore, #tpu.memory_space<semaphore_mem>>)
      %dma_wait3A = tpu.memref_slice %arg10[%add3A_110] : memref<100096xf32, #tpu.memory_space<vmem_shared>> -> memref<512xf32, #tpu.memory_space<vmem_shared>>
      %dma_wait3A_136 = tpu.memref_slice %arg10[%add3A_110] : memref<100096xf32, #tpu.memory_space<vmem_shared>> -> memref<512xf32, #tpu.memory_space<vmem_shared>>
      tpu.wait_dma2 semaphore(%run_scoped3A : memref<!tpu.dma_semaphore, #tpu.memory_space<semaphore_mem>>) src(%arg15 : memref<512xf32, #tpu.memory_space<vmem>>) dst(%dma_wait3A_136 : memref<512xf32, #tpu.memory_space<vmem_shared>>)
      tpu.yield
    }) : () -> ()
    %mul3A_111 = arith.constant 6256 : i32
    %mul3A_112 = arith.muli %arg1, %mul3A_111 : i32
    %add3A_113 = arith.constant 5744 : i32
    %add3A_114 = arith.addi %mul3A_112, %add3A_113 : i32
    "tpu.region"() ({
      %run_scoped3A = tpu.sem_alloc : memref<!tpu.dma_semaphore, #tpu.memory_space<semaphore_mem>>
      %dma_start3A = arith.constant 0 : i32
      %dma_start3A_135 = tpu.memref_slice %arg9[%add3A_114, %dma_start3A] : memref<100096x16xf32, #tpu.memory_space<vmem_shared>> -> memref<512x16xf32, #tpu.memory_space<vmem_shared>>
      %dma_start3A_136 = arith.constant 0 : i32
      %dma_start3A_137 = tpu.memref_slice %arg9[%add3A_114, %dma_start3A_136] : memref<100096x16xf32, #tpu.memory_space<vmem_shared>> -> memref<512x16xf32, #tpu.memory_space<vmem_shared>>
      tpu.enqueue_dma source(%arg13 : memref<512x16xf32, #tpu.memory_space<vmem>>) target(%dma_start3A_137 : memref<512x16xf32, #tpu.memory_space<vmem_shared>>) target_semaphore(%run_scoped3A : memref<!tpu.dma_semaphore, #tpu.memory_space<semaphore_mem>>)
      %dma_wait3A = arith.constant 0 : i32
      %dma_wait3A_138 = tpu.memref_slice %arg9[%add3A_114, %dma_wait3A] : memref<100096x16xf32, #tpu.memory_space<vmem_shared>> -> memref<512x16xf32, #tpu.memory_space<vmem_shared>>
      %dma_wait3A_139 = arith.constant 0 : i32
      %dma_wait3A_140 = tpu.memref_slice %arg9[%add3A_114, %dma_wait3A_139] : memref<100096x16xf32, #tpu.memory_space<vmem_shared>> -> memref<512x16xf32, #tpu.memory_space<vmem_shared>>
      tpu.wait_dma2 semaphore(%run_scoped3A : memref<!tpu.dma_semaphore, #tpu.memory_space<semaphore_mem>>) src(%arg13 : memref<512x16xf32, #tpu.memory_space<vmem>>) dst(%dma_wait3A_140 : memref<512x16xf32, #tpu.memory_space<vmem_shared>>)
      tpu.yield
    }) : () -> ()
    %mul3A_115 = arith.constant 6256 : i32
    %mul3A_116 = arith.muli %arg1, %mul3A_115 : i32
    %add3A_117 = arith.constant 5744 : i32
    %add3A_118 = arith.addi %mul3A_116, %add3A_117 : i32
    "tpu.region"() ({
      %run_scoped3A = tpu.sem_alloc : memref<!tpu.dma_semaphore, #tpu.memory_space<semaphore_mem>>
      %dma_start3A = tpu.memref_slice %arg10[%add3A_118] : memref<100096xf32, #tpu.memory_space<vmem_shared>> -> memref<512xf32, #tpu.memory_space<vmem_shared>>
      %dma_start3A_135 = tpu.memref_slice %arg10[%add3A_118] : memref<100096xf32, #tpu.memory_space<vmem_shared>> -> memref<512xf32, #tpu.memory_space<vmem_shared>>
      tpu.enqueue_dma source(%arg15 : memref<512xf32, #tpu.memory_space<vmem>>) target(%dma_start3A_135 : memref<512xf32, #tpu.memory_space<vmem_shared>>) target_semaphore(%run_scoped3A : memref<!tpu.dma_semaphore, #tpu.memory_space<semaphore_mem>>)
      %dma_wait3A = tpu.memref_slice %arg10[%add3A_118] : memref<100096xf32, #tpu.memory_space<vmem_shared>> -> memref<512xf32, #tpu.memory_space<vmem_shared>>
      %dma_wait3A_136 = tpu.memref_slice %arg10[%add3A_118] : memref<100096xf32, #tpu.memory_space<vmem_shared>> -> memref<512xf32, #tpu.memory_space<vmem_shared>>
      tpu.wait_dma2 semaphore(%run_scoped3A : memref<!tpu.dma_semaphore, #tpu.memory_space<semaphore_mem>>) src(%arg15 : memref<512xf32, #tpu.memory_space<vmem>>) dst(%dma_wait3A_136 : memref<512xf32, #tpu.memory_space<vmem_shared>>)
      tpu.yield
    }) : () -> ()
    %barrier3A = arith.constant 0 : index
    tpu.barrier barrier_id(%barrier3A)
    %mul3A_119 = arith.constant 100352 : i32
    %mul3A_120 = arith.muli %arg1, %mul3A_119 : i32
    %scan3A_121 = arith.constant 0 : i32
    %scan3A_122 = arith.constant 0 : i32
    %scan3A_123 = arith.constant 196 : i32
    %scan3A_124 = arith.addi %scan3A_122, %scan3A_123 : i32
    %scan3A_125 = arith.constant 1 : i32
    scf.for %scan3A_135 = %scan3A_122 to %scan3A_124 step %scan3A_125  : i32 {
      %mul3A_136 = arith.constant 512 : i32
      %mul3A_137 = arith.muli %scan3A_135, %mul3A_136 : i32
      %add3A_138 = arith.addi %mul3A_120, %mul3A_137 : i32
      "tpu.region"() ({
        %run_scoped3A = tpu.sem_alloc : memref<!tpu.dma_semaphore, #tpu.memory_space<semaphore_mem>>
        %dma_start3A = tpu.memref_slice %arg2[%add3A_138] : memref<1605632xi32, #tpu.memory_space<hbm>> -> memref<512xi32, #tpu.memory_space<hbm>>
        %dma_start3A_149 = tpu.memref_slice %arg2[%add3A_138] : memref<1605632xi32, #tpu.memory_space<hbm>> -> memref<512xi32, #tpu.memory_space<hbm>>
        tpu.enqueue_dma source(%dma_start3A_149 : memref<512xi32, #tpu.memory_space<hbm>>) target(%arg11 : memref<512xi32, #tpu.memory_space<vmem>>) target_semaphore(%run_scoped3A : memref<!tpu.dma_semaphore, #tpu.memory_space<semaphore_mem>>)
        %dma_wait3A = tpu.memref_slice %arg2[%add3A_138] : memref<1605632xi32, #tpu.memory_space<hbm>> -> memref<512xi32, #tpu.memory_space<hbm>>
        %dma_wait3A_150 = tpu.memref_slice %arg2[%add3A_138] : memref<1605632xi32, #tpu.memory_space<hbm>> -> memref<512xi32, #tpu.memory_space<hbm>>
        tpu.wait_dma2 semaphore(%run_scoped3A : memref<!tpu.dma_semaphore, #tpu.memory_space<semaphore_mem>>) src(%dma_wait3A_150 : memref<512xi32, #tpu.memory_space<hbm>>) dst(%arg11 : memref<512xi32, #tpu.memory_space<vmem>>)
        tpu.yield
      }) : () -> ()
      "tpu.region"() ({
        %run_scoped3A = tpu.sem_alloc : memref<!tpu.dma_semaphore, #tpu.memory_space<semaphore_mem>>
        %dma_start3A = tpu.memref_slice %arg3[%add3A_138] : memref<1605632xi32, #tpu.memory_space<hbm>> -> memref<512xi32, #tpu.memory_space<hbm>>
        %dma_start3A_149 = tpu.memref_slice %arg3[%add3A_138] : memref<1605632xi32, #tpu.memory_space<hbm>> -> memref<512xi32, #tpu.memory_space<hbm>>
        tpu.enqueue_dma source(%dma_start3A_149 : memref<512xi32, #tpu.memory_space<hbm>>) target(%arg12 : memref<512xi32, #tpu.memory_space<vmem>>) target_semaphore(%run_scoped3A : memref<!tpu.dma_semaphore, #tpu.memory_space<semaphore_mem>>)
        %dma_wait3A = tpu.memref_slice %arg3[%add3A_138] : memref<1605632xi32, #tpu.memory_space<hbm>> -> memref<512xi32, #tpu.memory_space<hbm>>
        %dma_wait3A_150 = tpu.memref_slice %arg3[%add3A_138] : memref<1605632xi32, #tpu.memory_space<hbm>> -> memref<512xi32, #tpu.memory_space<hbm>>
        tpu.wait_dma2 semaphore(%run_scoped3A : memref<!tpu.dma_semaphore, #tpu.memory_space<semaphore_mem>>) src(%dma_wait3A_150 : memref<512xi32, #tpu.memory_space<hbm>>) dst(%arg12 : memref<512xi32, #tpu.memory_space<vmem>>)
        tpu.yield
      }) : () -> ()
      %eq3A_139 = arith.constant 0 : i32
      %eq3A_140 = arith.cmpi eq, %arg0, %eq3A_139 : i32
      %convert_element_type3A_141 = arith.extui %eq3A_140 : i1 to i32
      %cond3A_142 = arith.constant 0 : i32
      %cond3A_143 = arith.cmpi ne, %convert_element_type3A_141, %cond3A_142 : i32
      scf.if %cond3A_143 {
        %dma_start3A = arith.constant 0 : i32
        %dma_start3A_149 = arith.constant 0 : i32
        %dma_start3A_150 = tpu.memref_slice %arg4[%dma_start3A, %dma_start3A_149] : memref<100000x16xf32, #tpu.memory_space<hbm>> -> memref<100000x16xf32, #tpu.memory_space<hbm>>
        tpu.enqueue_indirect_dma source(%dma_start3A_150 : memref<100000x16xf32, #tpu.memory_space<hbm>>) target(%arg13 : memref<512x16xf32, #tpu.memory_space<vmem>>) offsets(%arg11 : memref<512xi32, #tpu.memory_space<vmem>>) semaphore(%arg16 : memref<!tpu.dma_semaphore, #tpu.memory_space<semaphore_mem>>)
        %dma_wait3A = arith.constant 0 : i32
        %dma_wait3A_151 = arith.constant 0 : i32
        %dma_wait3A_152 = tpu.memref_slice %arg4[%dma_wait3A, %dma_wait3A_151] : memref<100000x16xf32, #tpu.memory_space<hbm>> -> memref<100000x16xf32, #tpu.memory_space<hbm>>
        tpu.wait_indirect_dma semaphore(%arg16 : memref<!tpu.dma_semaphore, #tpu.memory_space<semaphore_mem>>) src(%dma_wait3A_152 : memref<100000x16xf32, #tpu.memory_space<hbm>>) dst(%arg13 : memref<512x16xf32, #tpu.memory_space<vmem>>)
        "tpu.region"() ({
          %run_scoped3A = tpu.sem_alloc : memref<!tpu.dma_semaphore, #tpu.memory_space<semaphore_mem>>
          %dma_start3A_153 = arith.constant 0 : i32
          %dma_start3A_154 = arith.constant 0 : i32
          %dma_start3A_155 = tpu.memref_slice %arg9[%dma_start3A_153, %dma_start3A_154] : memref<100096x16xf32, #tpu.memory_space<vmem_shared>> -> memref<100096x16xf32, #tpu.memory_space<vmem_shared>>
          tpu.enqueue_indirect_dma source(%arg13 : memref<512x16xf32, #tpu.memory_space<vmem>>) target(%dma_start3A_155 : memref<100096x16xf32, #tpu.memory_space<vmem_shared>>) offsets(%arg12 : memref<512xi32, #tpu.memory_space<vmem>>) semaphore(%run_scoped3A : memref<!tpu.dma_semaphore, #tpu.memory_space<semaphore_mem>>) {add = true}
          %dma_wait3A_156 = arith.constant 0 : i32
          %dma_wait3A_157 = arith.constant 0 : i32
          %dma_wait3A_158 = tpu.memref_slice %arg9[%dma_wait3A_156, %dma_wait3A_157] : memref<100096x16xf32, #tpu.memory_space<vmem_shared>> -> memref<100096x16xf32, #tpu.memory_space<vmem_shared>>
          tpu.wait_indirect_dma semaphore(%run_scoped3A : memref<!tpu.dma_semaphore, #tpu.memory_space<semaphore_mem>>) src(%arg13 : memref<512x16xf32, #tpu.memory_space<vmem>>) dst(%dma_wait3A_158 : memref<100096x16xf32, #tpu.memory_space<vmem_shared>>)
          tpu.yield
        }) : () -> ()
      } else {
      }
      %eq3A_144 = arith.constant 1 : i32
      %eq3A_145 = arith.cmpi eq, %arg0, %eq3A_144 : i32
      %convert_element_type3A_146 = arith.extui %eq3A_145 : i1 to i32
      %cond3A_147 = arith.constant 0 : i32
      %cond3A_148 = arith.cmpi ne, %convert_element_type3A_146, %cond3A_147 : i32
      scf.if %cond3A_148 {
        %dma_start3A = arith.constant 0 : i32
        %dma_start3A_149 = arith.constant 0 : i32
        %dma_start3A_150 = tpu.memref_slice %arg5[%dma_start3A, %dma_start3A_149] : memref<100000x16xf32, #tpu.memory_space<hbm>> -> memref<100000x16xf32, #tpu.memory_space<hbm>>
        tpu.enqueue_indirect_dma source(%dma_start3A_150 : memref<100000x16xf32, #tpu.memory_space<hbm>>) target(%arg13 : memref<512x16xf32, #tpu.memory_space<vmem>>) offsets(%arg11 : memref<512xi32, #tpu.memory_space<vmem>>) semaphore(%arg16 : memref<!tpu.dma_semaphore, #tpu.memory_space<semaphore_mem>>)
        %dma_wait3A = arith.constant 0 : i32
        %dma_wait3A_151 = arith.constant 0 : i32
        %dma_wait3A_152 = tpu.memref_slice %arg5[%dma_wait3A, %dma_wait3A_151] : memref<100000x16xf32, #tpu.memory_space<hbm>> -> memref<100000x16xf32, #tpu.memory_space<hbm>>
        tpu.wait_indirect_dma semaphore(%arg16 : memref<!tpu.dma_semaphore, #tpu.memory_space<semaphore_mem>>) src(%dma_wait3A_152 : memref<100000x16xf32, #tpu.memory_space<hbm>>) dst(%arg13 : memref<512x16xf32, #tpu.memory_space<vmem>>)
        "tpu.region"() ({
          %run_scoped3A = tpu.sem_alloc : memref<!tpu.dma_semaphore, #tpu.memory_space<semaphore_mem>>
          %dma_start3A_153 = arith.constant 0 : i32
          %dma_start3A_154 = arith.constant 0 : i32
          %dma_start3A_155 = tpu.memref_slice %arg9[%dma_start3A_153, %dma_start3A_154] : memref<100096x16xf32, #tpu.memory_space<vmem_shared>> -> memref<100096x16xf32, #tpu.memory_space<vmem_shared>>
          tpu.enqueue_indirect_dma source(%arg13 : memref<512x16xf32, #tpu.memory_space<vmem>>) target(%dma_start3A_155 : memref<100096x16xf32, #tpu.memory_space<vmem_shared>>) offsets(%arg12 : memref<512xi32, #tpu.memory_space<vmem>>) semaphore(%run_scoped3A : memref<!tpu.dma_semaphore, #tpu.memory_space<semaphore_mem>>) {add = true}
          %dma_wait3A_156 = arith.constant 0 : i32
          %dma_wait3A_157 = arith.constant 0 : i32
          %dma_wait3A_158 = tpu.memref_slice %arg9[%dma_wait3A_156, %dma_wait3A_157] : memref<100096x16xf32, #tpu.memory_space<vmem_shared>> -> memref<100096x16xf32, #tpu.memory_space<vmem_shared>>
          tpu.wait_indirect_dma semaphore(%run_scoped3A : memref<!tpu.dma_semaphore, #tpu.memory_space<semaphore_mem>>) src(%arg13 : memref<512x16xf32, #tpu.memory_space<vmem>>) dst(%dma_wait3A_158 : memref<100096x16xf32, #tpu.memory_space<vmem_shared>>)
          tpu.yield
        }) : () -> ()
        "tpu.region"() ({
          %run_scoped3A = tpu.sem_alloc : memref<!tpu.dma_semaphore, #tpu.memory_space<semaphore_mem>>
          %dma_start3A_153 = arith.constant 0 : i32
          %dma_start3A_154 = tpu.memref_slice %arg10[%dma_start3A_153] : memref<100096xf32, #tpu.memory_space<vmem_shared>> -> memref<100096xf32, #tpu.memory_space<vmem_shared>>
          tpu.enqueue_indirect_dma source(%arg14 : memref<512xf32, #tpu.memory_space<vmem>>) target(%dma_start3A_154 : memref<100096xf32, #tpu.memory_space<vmem_shared>>) offsets(%arg12 : memref<512xi32, #tpu.memory_space<vmem>>) semaphore(%run_scoped3A : memref<!tpu.dma_semaphore, #tpu.memory_space<semaphore_mem>>) {add = true}
          %dma_wait3A_155 = arith.constant 0 : i32
          %dma_wait3A_156 = tpu.memref_slice %arg10[%dma_wait3A_155] : memref<100096xf32, #tpu.memory_space<vmem_shared>> -> memref<100096xf32, #tpu.memory_space<vmem_shared>>
          tpu.wait_indirect_dma semaphore(%run_scoped3A : memref<!tpu.dma_semaphore, #tpu.memory_space<semaphore_mem>>) src(%arg14 : memref<512xf32, #tpu.memory_space<vmem>>) dst(%dma_wait3A_156 : memref<100096xf32, #tpu.memory_space<vmem_shared>>)
          tpu.yield
        }) : () -> ()
      } else {
      }
    }
    %scan3A_126 = arith.constant 196 : i32
    %barrier3A_127 = arith.constant 0 : index
    tpu.barrier barrier_id(%barrier3A_127)
    %eq3A = arith.constant 0 : i32
    %eq3A_128 = arith.cmpi eq, %arg0, %eq3A : i32
    %convert_element_type3A = arith.extui %eq3A_128 : i1 to i32
    %cond3A = arith.constant 0 : i32
    %cond3A_129 = arith.cmpi ne, %convert_element_type3A, %cond3A : i32
    scf.if %cond3A_129 {
      %mul3A_135 = arith.constant 6256 : i32
      %mul3A_136 = arith.muli %arg1, %mul3A_135 : i32
      %mul3A_137 = arith.constant 6256 : i32
      %mul3A_138 = arith.muli %arg1, %mul3A_137 : i32
      "tpu.region"() ({
        %run_scoped3A = tpu.sem_alloc : memref<!tpu.dma_semaphore, #tpu.memory_space<semaphore_mem>>
        %dma_start3A = arith.constant 0 : i32
        %dma_start3A_139 = tpu.memref_slice %arg6[%mul3A_138, %dma_start3A] : memref<100096x16xf32, #tpu.memory_space<hbm>> -> memref<6256x16xf32, #tpu.memory_space<hbm>>
        %dma_start3A_140 = arith.constant 0 : i32
        %dma_start3A_141 = tpu.memref_slice %arg9[%mul3A_136, %dma_start3A_140] : memref<100096x16xf32, #tpu.memory_space<vmem_shared>> -> memref<6256x16xf32, #tpu.memory_space<vmem_shared>>
        tpu.enqueue_dma source(%dma_start3A_141 : memref<6256x16xf32, #tpu.memory_space<vmem_shared>>) target(%dma_start3A_139 : memref<6256x16xf32, #tpu.memory_space<hbm>>) target_semaphore(%run_scoped3A : memref<!tpu.dma_semaphore, #tpu.memory_space<semaphore_mem>>)
        %dma_wait3A = arith.constant 0 : i32
        %dma_wait3A_142 = tpu.memref_slice %arg6[%mul3A_138, %dma_wait3A] : memref<100096x16xf32, #tpu.memory_space<hbm>> -> memref<6256x16xf32, #tpu.memory_space<hbm>>
        %dma_wait3A_143 = arith.constant 0 : i32
        %dma_wait3A_144 = tpu.memref_slice %arg9[%mul3A_136, %dma_wait3A_143] : memref<100096x16xf32, #tpu.memory_space<vmem_shared>> -> memref<6256x16xf32, #tpu.memory_space<vmem_shared>>
        tpu.wait_dma2 semaphore(%run_scoped3A : memref<!tpu.dma_semaphore, #tpu.memory_space<semaphore_mem>>) src(%dma_wait3A_144 : memref<6256x16xf32, #tpu.memory_space<vmem_shared>>) dst(%dma_wait3A_142 : memref<6256x16xf32, #tpu.memory_space<hbm>>)
        tpu.yield
      }) : () -> ()
    } else {
    }
    %eq3A_130 = arith.constant 1 : i32
    %eq3A_131 = arith.cmpi eq, %arg0, %eq3A_130 : i32
    %convert_element_type3A_132 = arith.extui %eq3A_131 : i1 to i32
    %cond3A_133 = arith.constant 0 : i32
    %cond3A_134 = arith.cmpi ne, %convert_element_type3A_132, %cond3A_133 : i32
    scf.if %cond3A_134 {
      %mul3A_135 = arith.constant 6256 : i32
      %mul3A_136 = arith.muli %arg1, %mul3A_135 : i32
      %mul3A_137 = arith.constant 6256 : i32
      %mul3A_138 = arith.muli %arg1, %mul3A_137 : i32
      "tpu.region"() ({
        %run_scoped3A = tpu.sem_alloc : memref<!tpu.dma_semaphore, #tpu.memory_space<semaphore_mem>>
        %dma_start3A = arith.constant 0 : i32
        %dma_start3A_143 = tpu.memref_slice %arg7[%mul3A_138, %dma_start3A] : memref<100096x16xf32, #tpu.memory_space<hbm>> -> memref<6256x16xf32, #tpu.memory_space<hbm>>
        %dma_start3A_144 = arith.constant 0 : i32
        %dma_start3A_145 = tpu.memref_slice %arg9[%mul3A_136, %dma_start3A_144] : memref<100096x16xf32, #tpu.memory_space<vmem_shared>> -> memref<6256x16xf32, #tpu.memory_space<vmem_shared>>
        tpu.enqueue_dma source(%dma_start3A_145 : memref<6256x16xf32, #tpu.memory_space<vmem_shared>>) target(%dma_start3A_143 : memref<6256x16xf32, #tpu.memory_space<hbm>>) target_semaphore(%run_scoped3A : memref<!tpu.dma_semaphore, #tpu.memory_space<semaphore_mem>>)
        %dma_wait3A = arith.constant 0 : i32
        %dma_wait3A_146 = tpu.memref_slice %arg7[%mul3A_138, %dma_wait3A] : memref<100096x16xf32, #tpu.memory_space<hbm>> -> memref<6256x16xf32, #tpu.memory_space<hbm>>
        %dma_wait3A_147 = arith.constant 0 : i32
        %dma_wait3A_148 = tpu.memref_slice %arg9[%mul3A_136, %dma_wait3A_147] : memref<100096x16xf32, #tpu.memory_space<vmem_shared>> -> memref<6256x16xf32, #tpu.memory_space<vmem_shared>>
        tpu.wait_dma2 semaphore(%run_scoped3A : memref<!tpu.dma_semaphore, #tpu.memory_space<semaphore_mem>>) src(%dma_wait3A_148 : memref<6256x16xf32, #tpu.memory_space<vmem_shared>>) dst(%dma_wait3A_146 : memref<6256x16xf32, #tpu.memory_space<hbm>>)
        tpu.yield
      }) : () -> ()
      %mul3A_139 = arith.constant 6256 : i32
      %mul3A_140 = arith.muli %arg1, %mul3A_139 : i32
      %mul3A_141 = arith.constant 6256 : i32
      %mul3A_142 = arith.muli %arg1, %mul3A_141 : i32
      "tpu.region"() ({
        %run_scoped3A = tpu.sem_alloc : memref<!tpu.dma_semaphore, #tpu.memory_space<semaphore_mem>>
        %dma_start3A = tpu.memref_slice %arg8[%mul3A_142] : memref<100096xf32, #tpu.memory_space<hbm>> -> memref<6256xf32, #tpu.memory_space<hbm>>
        %dma_start3A_143 = tpu.memref_slice %arg10[%mul3A_140] : memref<100096xf32, #tpu.memory_space<vmem_shared>> -> memref<6256xf32, #tpu.memory_space<vmem_shared>>
        tpu.enqueue_dma source(%dma_start3A_143 : memref<6256xf32, #tpu.memory_space<vmem_shared>>) target(%dma_start3A : memref<6256xf32, #tpu.memory_space<hbm>>) target_semaphore(%run_scoped3A : memref<!tpu.dma_semaphore, #tpu.memory_space<semaphore_mem>>)
        %dma_wait3A = tpu.memref_slice %arg8[%mul3A_142] : memref<100096xf32, #tpu.memory_space<hbm>> -> memref<6256xf32, #tpu.memory_space<hbm>>
        %dma_wait3A_144 = tpu.memref_slice %arg10[%mul3A_140] : memref<100096xf32, #tpu.memory_space<vmem_shared>> -> memref<6256xf32, #tpu.memory_space<vmem_shared>>
        tpu.wait_dma2 semaphore(%run_scoped3A : memref<!tpu.dma_semaphore, #tpu.memory_space<semaphore_mem>>) src(%dma_wait3A_144 : memref<6256xf32, #tpu.memory_space<vmem_shared>>) dst(%dma_wait3A : memref<6256xf32, #tpu.memory_space<hbm>>)
        tpu.yield
      }) : () -> ()
    } else {
    }
    return
  }
}

module attributes {stable_mosaic.version = 14 : i64} {
  func.func @_enc_body(%arg0: i32, %arg1: memref<2000x128xf32, #tpu.memory_space<vmem>>, %arg2: memref<2000x128xf32, #tpu.memory_space<vmem>>, %arg3: memref<128x32xf32, #tpu.memory_space<vmem>>, %arg4: memref<1x32xf32, #tpu.memory_space<vmem>>, %arg5: memref<128x32xf32, #tpu.memory_space<vmem>>, %arg6: memref<1x32xf32, #tpu.memory_space<vmem>>, %arg7: memref<2000x32xf32, #tpu.memory_space<vmem>>, %arg8: memref<2000x16xf32, #tpu.memory_space<vmem>>, %arg9: memref<2000x16xf32, #tpu.memory_space<vmem>>) attributes {dimension_semantics = [#tpu.dimension_semantics<arbitrary>], iteration_bounds = array<i64: 50>, scalar_prefetch = 0 : i64, scratch_operands = 0 : i64, tpu.core_type = #tpu.core_type<tc>, window_params = [{transform_indices = @transform_0, window_bounds = array<i64: 2000, 128>}, {transform_indices = @transform_1, window_bounds = array<i64: 2000, 128>}, {pipeline_mode = #tpu.pipeline_mode<synchronous>, transform_indices = @transform_2, window_bounds = array<i64: 128, 32>}, {pipeline_mode = #tpu.pipeline_mode<synchronous>, transform_indices = @transform_3, window_bounds = array<i64: 1, 32>}, {pipeline_mode = #tpu.pipeline_mode<synchronous>, transform_indices = @transform_4, window_bounds = array<i64: 128, 32>}, {pipeline_mode = #tpu.pipeline_mode<synchronous>, transform_indices = @transform_5, window_bounds = array<i64: 1, 32>}, {transform_indices = @transform_6, window_bounds = array<i64: 2000, 32>}, {transform_indices = @transform_7, window_bounds = array<i64: 2000, 16>}, {transform_indices = @transform_8, window_bounds = array<i64: 2000, 16>}]} {
    %get3A = arith.constant 0 : index
    %get3A_0 = arith.constant 0 : index
    %get3A_1 = vector.load %arg1[%get3A, %get3A_0] : memref<2000x128xf32, #tpu.memory_space<vmem>>, vector<2000x128xf32>
    %get3A_2 = arith.constant 0 : index
    %get3A_3 = arith.constant 0 : index
    %get3A_4 = vector.load %arg3[%get3A_2, %get3A_3] : memref<128x32xf32, #tpu.memory_space<vmem>>, vector<128x32xf32>
    %dot_general3A = arith.constant dense<0.000000e+00> : vector<2000x32xf32>
    %dot_general3A_5 = tpu.matmul %get3A_1, %get3A_4, %dot_general3A {dimension_numbers = #tpu.dot_dimension_numbers<[1], [0], [0], [1], [0, 0, 1, 1], [], []>, transpose_lhs_hint = false} : vector<2000x128xf32>, vector<128x32xf32>, vector<2000x32xf32> -> vector<2000x32xf32>
    %get3A_6 = arith.constant 0 : index
    %get3A_7 = arith.constant 0 : index
    %get3A_8 = vector.load %arg4[%get3A_6, %get3A_7] : memref<1x32xf32, #tpu.memory_space<vmem>>, vector<1x32xf32>
    %add3A = vector.broadcast %get3A_8 : vector<1x32xf32> to vector<2000x32xf32>
    %add3A_9 = arith.addf %dot_general3A_5, %add3A : vector<2000x32xf32>
    %max3A = arith.constant 0.000000e+00 : f32
    %max3A_10 = vector.broadcast %max3A : f32 to vector<2000x32xf32>
    %max3A_11 = arith.maximumf %add3A_9, %max3A_10 : vector<2000x32xf32>
    %get3A_12 = arith.constant 0 : index
    %get3A_13 = arith.constant 0 : index
    %get3A_14 = vector.load %arg2[%get3A_12, %get3A_13] : memref<2000x128xf32, #tpu.memory_space<vmem>>, vector<2000x128xf32>
    %get3A_15 = arith.constant 0 : index
    %get3A_16 = arith.constant 0 : index
    %get3A_17 = vector.load %arg5[%get3A_15, %get3A_16] : memref<128x32xf32, #tpu.memory_space<vmem>>, vector<128x32xf32>
    %dot_general3A_18 = arith.constant dense<0.000000e+00> : vector<2000x32xf32>
    %dot_general3A_19 = tpu.matmul %get3A_14, %get3A_17, %dot_general3A_18 {dimension_numbers = #tpu.dot_dimension_numbers<[1], [0], [0], [1], [0, 0, 1, 1], [], []>, transpose_lhs_hint = false} : vector<2000x128xf32>, vector<128x32xf32>, vector<2000x32xf32> -> vector<2000x32xf32>
    %get3A_20 = arith.constant 0 : index
    %get3A_21 = arith.constant 0 : index
    %get3A_22 = vector.load %arg6[%get3A_20, %get3A_21] : memref<1x32xf32, #tpu.memory_space<vmem>>, vector<1x32xf32>
    %add3A_23 = vector.broadcast %get3A_22 : vector<1x32xf32> to vector<2000x32xf32>
    %add3A_24 = arith.addf %dot_general3A_19, %add3A_23 : vector<2000x32xf32>
    %max3A_25 = arith.constant 0.000000e+00 : f32
    %max3A_26 = vector.broadcast %max3A_25 : f32 to vector<2000x32xf32>
    %max3A_27 = arith.maximumf %add3A_24, %max3A_26 : vector<2000x32xf32>
    %swap3A = arith.constant 0 : index
    %swap3A_28 = arith.constant 0 : index
    %swap3A_29 = vector.load %arg7[%swap3A, %swap3A_28] : memref<2000x32xf32, #tpu.memory_space<vmem>>, vector<2000x32xf32>
    tpu.vector_store %arg7[%swap3A, %swap3A_28], %max3A_11 {strides = array<i32>} : memref<2000x32xf32, #tpu.memory_space<vmem>>, vector<2000x32xf32>,
    %slice3A = vector.extract_strided_slice %max3A_27 {offsets = [0, 0], sizes = [2000, 16], strides = [1, 1]} : vector<2000x32xf32> to vector<2000x16xf32>
    %swap3A_30 = arith.constant 0 : index
    %swap3A_31 = arith.constant 0 : index
    %swap3A_32 = vector.load %arg8[%swap3A_30, %swap3A_31] : memref<2000x16xf32, #tpu.memory_space<vmem>>, vector<2000x16xf32>
    tpu.vector_store %arg8[%swap3A_30, %swap3A_31], %slice3A {strides = array<i32>} : memref<2000x16xf32, #tpu.memory_space<vmem>>, vector<2000x16xf32>,
    %slice3A_33 = vector.extract_strided_slice %max3A_27 {offsets = [0, 16], sizes = [2000, 16], strides = [1, 1]} : vector<2000x32xf32> to vector<2000x16xf32>
    %swap3A_34 = arith.constant 0 : index
    %swap3A_35 = arith.constant 0 : index
    %swap3A_36 = vector.load %arg9[%swap3A_34, %swap3A_35] : memref<2000x16xf32, #tpu.memory_space<vmem>>, vector<2000x16xf32>
    tpu.vector_store %arg9[%swap3A_34, %swap3A_35], %slice3A_33 {strides = array<i32>} : memref<2000x16xf32, #tpu.memory_space<vmem>>, vector<2000x16xf32>,
    return
  }
  func.func @transform_0(%arg0: i32) -> (i32, i32) {
    %c0_i32 = arith.constant 0 : i32
    %c0_i32_0 = arith.constant 0 : i32
    return %arg0, %c0_i32 : i32, i32
  }
  func.func @transform_1(%arg0: i32) -> (i32, i32) {
    %c0_i32 = arith.constant 0 : i32
    %c0_i32_0 = arith.constant 0 : i32
    return %arg0, %c0_i32 : i32, i32
  }
  func.func @transform_2(%arg0: i32) -> (i32, i32) {
    %c0_i32 = arith.constant 0 : i32
    %c0_i32_0 = arith.constant 0 : i32
    %c0_i32_1 = arith.constant 0 : i32
    return %c0_i32, %c0_i32_0 : i32, i32
  }
  func.func @transform_3(%arg0: i32) -> (i32, i32) {
    %c0_i32 = arith.constant 0 : i32
    %c0_i32_0 = arith.constant 0 : i32
    %c0_i32_1 = arith.constant 0 : i32
    return %c0_i32, %c0_i32_0 : i32, i32
  }
  func.func @transform_4(%arg0: i32) -> (i32, i32) {
    %c0_i32 = arith.constant 0 : i32
    %c0_i32_0 = arith.constant 0 : i32
    %c0_i32_1 = arith.constant 0 : i32
    return %c0_i32, %c0_i32_0 : i32, i32
  }
  func.func @transform_5(%arg0: i32) -> (i32, i32) {
    %c0_i32 = arith.constant 0 : i32
    %c0_i32_0 = arith.constant 0 : i32
    %c0_i32_1 = arith.constant 0 : i32
    return %c0_i32, %c0_i32_0 : i32, i32
  }
  func.func @transform_6(%arg0: i32) -> (i32, i32) {
    %c0_i32 = arith.constant 0 : i32
    %c0_i32_0 = arith.constant 0 : i32
    return %arg0, %c0_i32 : i32, i32
  }
  func.func @transform_7(%arg0: i32) -> (i32, i32) {
    %c0_i32 = arith.constant 0 : i32
    %c0_i32_0 = arith.constant 0 : i32
    return %arg0, %c0_i32 : i32, i32
  }
  func.func @transform_8(%arg0: i32) -> (i32, i32) {
    %c0_i32 = arith.constant 0 : i32
    %c0_i32_0 = arith.constant 0 : i32
    return %arg0, %c0_i32 : i32, i32
  }
}

module attributes {stable_mosaic.version = 14 : i64} {
  func.func @_fin_body(%arg0: i32, %arg1: memref<2000x16xf32, #tpu.memory_space<vmem>>, %arg2: memref<2000x16xf32, #tpu.memory_space<vmem>>, %arg3: memref<2000x1xf32, #tpu.memory_space<vmem>>, %arg4: memref<2000x32xf32, #tpu.memory_space<vmem>>, %arg5: memref<16x32xf32, #tpu.memory_space<vmem>>, %arg6: memref<16x32xf32, #tpu.memory_space<vmem>>, %arg7: memref<1x32xf32, #tpu.memory_space<vmem>>, %arg8: memref<32x32xf32, #tpu.memory_space<vmem>>, %arg9: memref<32x1xf32, #tpu.memory_space<vmem>>, %arg10: memref<1x1xf32, #tpu.memory_space<vmem>>, %arg11: memref<2000x1xf32, #tpu.memory_space<vmem>>) attributes {dimension_semantics = [#tpu.dimension_semantics<arbitrary>], iteration_bounds = array<i64: 50>, scalar_prefetch = 0 : i64, scratch_operands = 0 : i64, tpu.core_type = #tpu.core_type<tc>, window_params = [{transform_indices = @transform_0, window_bounds = array<i64: 2000, 16>}, {transform_indices = @transform_1, window_bounds = array<i64: 2000, 16>}, {transform_indices = @transform_2, window_bounds = array<i64: 2000, 1>}, {transform_indices = @transform_3, window_bounds = array<i64: 2000, 32>}, {pipeline_mode = #tpu.pipeline_mode<synchronous>, transform_indices = @transform_4, window_bounds = array<i64: 16, 32>}, {pipeline_mode = #tpu.pipeline_mode<synchronous>, transform_indices = @transform_5, window_bounds = array<i64: 16, 32>}, {pipeline_mode = #tpu.pipeline_mode<synchronous>, transform_indices = @transform_6, window_bounds = array<i64: 1, 32>}, {pipeline_mode = #tpu.pipeline_mode<synchronous>, transform_indices = @transform_7, window_bounds = array<i64: 32, 32>}, {pipeline_mode = #tpu.pipeline_mode<synchronous>, transform_indices = @transform_8, window_bounds = array<i64: 32, 1>}, {pipeline_mode = #tpu.pipeline_mode<synchronous>, transform_indices = @transform_9, window_bounds = array<i64: 1, 1>}, {transform_indices = @transform_10, window_bounds = array<i64: 2000, 1>}]} {
    %get3A = arith.constant 0 : index
    %get3A_0 = arith.constant 0 : index
    %get3A_1 = vector.load %arg3[%get3A, %get3A_0] : memref<2000x1xf32, #tpu.memory_space<vmem>>, vector<2000x1xf32>
    %max3A = arith.constant 1.000000e+00 : f32
    %max3A_2 = vector.broadcast %max3A : f32 to vector<2000x1xf32>
    %max3A_3 = arith.maximumf %get3A_1, %max3A_2 : vector<2000x1xf32>
    %get3A_4 = arith.constant 0 : index
    %get3A_5 = arith.constant 0 : index
    %get3A_6 = vector.load %arg1[%get3A_4, %get3A_5] : memref<2000x16xf32, #tpu.memory_space<vmem>>, vector<2000x16xf32>
    %div3A = vector.broadcast %max3A_3 : vector<2000x1xf32> to vector<2000x16xf32>
    %div3A_7 = arith.divf %get3A_6, %div3A : vector<2000x16xf32>
    %get3A_8 = arith.constant 0 : index
    %get3A_9 = arith.constant 0 : index
    %get3A_10 = vector.load %arg2[%get3A_8, %get3A_9] : memref<2000x16xf32, #tpu.memory_space<vmem>>, vector<2000x16xf32>
    %div3A_11 = vector.broadcast %max3A_3 : vector<2000x1xf32> to vector<2000x16xf32>
    %div3A_12 = arith.divf %get3A_10, %div3A_11 : vector<2000x16xf32>
    %get3A_13 = arith.constant 0 : index
    %get3A_14 = arith.constant 0 : index
    %get3A_15 = vector.load %arg5[%get3A_13, %get3A_14] : memref<16x32xf32, #tpu.memory_space<vmem>>, vector<16x32xf32>
    %dot_general3A = arith.constant dense<0.000000e+00> : vector<2000x32xf32>
    %dot_general3A_16 = tpu.matmul %div3A_7, %get3A_15, %dot_general3A {dimension_numbers = #tpu.dot_dimension_numbers<[1], [0], [0], [1], [0, 0, 1, 1], [], []>, transpose_lhs_hint = false} : vector<2000x16xf32>, vector<16x32xf32>, vector<2000x32xf32> -> vector<2000x32xf32>
    %get3A_17 = arith.constant 0 : index
    %get3A_18 = arith.constant 0 : index
    %get3A_19 = vector.load %arg6[%get3A_17, %get3A_18] : memref<16x32xf32, #tpu.memory_space<vmem>>, vector<16x32xf32>
    %dot_general3A_20 = arith.constant dense<0.000000e+00> : vector<2000x32xf32>
    %dot_general3A_21 = tpu.matmul %div3A_12, %get3A_19, %dot_general3A_20 {dimension_numbers = #tpu.dot_dimension_numbers<[1], [0], [0], [1], [0, 0, 1, 1], [], []>, transpose_lhs_hint = false} : vector<2000x16xf32>, vector<16x32xf32>, vector<2000x32xf32> -> vector<2000x32xf32>
    %add3A = arith.addf %dot_general3A_16, %dot_general3A_21 : vector<2000x32xf32>
    %get3A_22 = arith.constant 0 : index
    %get3A_23 = arith.constant 0 : index
    %get3A_24 = vector.load %arg4[%get3A_22, %get3A_23] : memref<2000x32xf32, #tpu.memory_space<vmem>>, vector<2000x32xf32>
    %get3A_25 = arith.constant 0 : index
    %get3A_26 = arith.constant 0 : index
    %get3A_27 = vector.load %arg8[%get3A_25, %get3A_26] : memref<32x32xf32, #tpu.memory_space<vmem>>, vector<32x32xf32>
    %dot_general3A_28 = arith.constant dense<0.000000e+00> : vector<2000x32xf32>
    %dot_general3A_29 = tpu.matmul %get3A_24, %get3A_27, %dot_general3A_28 {dimension_numbers = #tpu.dot_dimension_numbers<[1], [0], [0], [1], [0, 0, 1, 1], [], []>, transpose_lhs_hint = false} : vector<2000x32xf32>, vector<32x32xf32>, vector<2000x32xf32> -> vector<2000x32xf32>
    %add3A_30 = arith.addf %add3A, %dot_general3A_29 : vector<2000x32xf32>
    %get3A_31 = arith.constant 0 : index
    %get3A_32 = arith.constant 0 : index
    %get3A_33 = vector.load %arg7[%get3A_31, %get3A_32] : memref<1x32xf32, #tpu.memory_space<vmem>>, vector<1x32xf32>
    %add3A_34 = vector.broadcast %get3A_33 : vector<1x32xf32> to vector<2000x32xf32>
    %add3A_35 = arith.addf %add3A_30, %add3A_34 : vector<2000x32xf32>
    %max3A_36 = arith.constant 0.000000e+00 : f32
    %max3A_37 = vector.broadcast %max3A_36 : f32 to vector<2000x32xf32>
    %max3A_38 = arith.maximumf %add3A_35, %max3A_37 : vector<2000x32xf32>
    %get3A_39 = arith.constant 0 : index
    %get3A_40 = arith.constant 0 : index
    %get3A_41 = vector.load %arg9[%get3A_39, %get3A_40] : memref<32x1xf32, #tpu.memory_space<vmem>>, vector<32x1xf32>
    %dot_general3A_42 = arith.constant dense<0.000000e+00> : vector<2000x1xf32>
    %dot_general3A_43 = tpu.matmul %max3A_38, %get3A_41, %dot_general3A_42 {dimension_numbers = #tpu.dot_dimension_numbers<[1], [0], [0], [1], [0, 0, 1, 1], [], []>, transpose_lhs_hint = false} : vector<2000x32xf32>, vector<32x1xf32>, vector<2000x1xf32> -> vector<2000x1xf32>
    %get3A_44 = arith.constant 0 : index
    %get3A_45 = arith.constant 0 : index
    %get3A_46 = vector.load %arg10[%get3A_44, %get3A_45] : memref<1x1xf32, #tpu.memory_space<vmem>>, vector<1x1xf32>
    %add3A_47 = vector.broadcast %get3A_46 : vector<1x1xf32> to vector<2000x1xf32>
    %add3A_48 = arith.addf %dot_general3A_43, %add3A_47 : vector<2000x1xf32>
    %swap3A = arith.constant 0 : index
    %swap3A_49 = arith.constant 0 : index
    %swap3A_50 = vector.load %arg11[%swap3A, %swap3A_49] : memref<2000x1xf32, #tpu.memory_space<vmem>>, vector<2000x1xf32>
    tpu.vector_store %arg11[%swap3A, %swap3A_49], %add3A_48 {strides = array<i32>} : memref<2000x1xf32, #tpu.memory_space<vmem>>, vector<2000x1xf32>,
    return
  }
  func.func @transform_0(%arg0: i32) -> (i32, i32) {
    %c0_i32 = arith.constant 0 : i32
    %c0_i32_0 = arith.constant 0 : i32
    return %arg0, %c0_i32 : i32, i32
  }
  func.func @transform_1(%arg0: i32) -> (i32, i32) {
    %c0_i32 = arith.constant 0 : i32
    %c0_i32_0 = arith.constant 0 : i32
    return %arg0, %c0_i32 : i32, i32
  }
  func.func @transform_2(%arg0: i32) -> (i32, i32) {
    %c0_i32 = arith.constant 0 : i32
    %c0_i32_0 = arith.constant 0 : i32
    return %arg0, %c0_i32 : i32, i32
  }
  func.func @transform_3(%arg0: i32) -> (i32, i32) {
    %c0_i32 = arith.constant 0 : i32
    %c0_i32_0 = arith.constant 0 : i32
    return %arg0, %c0_i32 : i32, i32
  }
  func.func @transform_4(%arg0: i32) -> (i32, i32) {
    %c0_i32 = arith.constant 0 : i32
    %c0_i32_0 = arith.constant 0 : i32
    %c0_i32_1 = arith.constant 0 : i32
    return %c0_i32, %c0_i32_0 : i32, i32
  }
  func.func @transform_5(%arg0: i32) -> (i32, i32) {
    %c0_i32 = arith.constant 0 : i32
    %c0_i32_0 = arith.constant 0 : i32
    %c0_i32_1 = arith.constant 0 : i32
    return %c0_i32, %c0_i32_0 : i32, i32
  }
  func.func @transform_6(%arg0: i32) -> (i32, i32) {
    %c0_i32 = arith.constant 0 : i32
    %c0_i32_0 = arith.constant 0 : i32
    %c0_i32_1 = arith.constant 0 : i32
    return %c0_i32, %c0_i32_0 : i32, i32
  }
  func.func @transform_7(%arg0: i32) -> (i32, i32) {
    %c0_i32 = arith.constant 0 : i32
    %c0_i32_0 = arith.constant 0 : i32
    %c0_i32_1 = arith.constant 0 : i32
    return %c0_i32, %c0_i32_0 : i32, i32
  }
  func.func @transform_8(%arg0: i32) -> (i32, i32) {
    %c0_i32 = arith.constant 0 : i32
    %c0_i32_0 = arith.constant 0 : i32
    %c0_i32_1 = arith.constant 0 : i32
    return %c0_i32, %c0_i32_0 : i32, i32
  }
  func.func @transform_9(%arg0: i32) -> (i32, i32) {
    %c0_i32 = arith.constant 0 : i32
    %c0_i32_0 = arith.constant 0 : i32
    %c0_i32_1 = arith.constant 0 : i32
    return %c0_i32, %c0_i32_0 : i32, i32
  }
  func.func @transform_10(%arg0: i32) -> (i32, i32) {
    %c0_i32 = arith.constant 0 : i32
    %c0_i32_0 = arith.constant 0 : i32
    return %arg0, %c0_i32 : i32, i32
  }
}

</mosaic_0001>

<sc_bundles>
// kernel: kernel.5.cloned.1.call-start
scs
__scs_entry_jumppad:
0x0: {  	(pc) =	sbr.rel $0x88, $3  }
0x1: {  	(tag) =	ssettag $0x0;
	lr =	simm.s32 $0x1  }
0x2: {  	[smem:$0x3F95] =	sst lr;
	_ =	strace $0xD0000000  }
0x3: {  	_ = 	snop  }
0x4: {  	_ = 	snop  }
0x5: {  	_ = 	snop  }
0x6: {  	_ = 	snop  }
0x7: {  	_ = 	snop  }
__scs_overlays_trampoline_lowered:
0x8: {  	[smem:$0x3FA4] =	sst s0  }
0x9: {  	[smem:$0x3FA5] =	sst s1  }
0xa: {  	[smem:$0x3FA6] =	sst s2  }
0xb: {  	[smem:$0x3FA7] =	sst s3  }
0xc: {  	[smem:$0x3FA8] =	sst s4  }
0xd: {  	[smem:$0x3FA9] =	sst s5  }
0xe: {  	[smem:$0x3FAA] =	sst s6  }
0xf: {  	[smem:$0x3FAB] =	sst s7  }
0x10: {  	[smem:$0x3FAC] =	sst s8  }
0x11: {  	[smem:$0x3FAD] =	sst s9;
	s0 =	simm.s32 @!p0 $0x0  }
0x12: {  	s1 =	sld [smem:$0x3F93];
	s0 =	simm.s32 @p0 $0x1  }
0x13: {  	[smem:$0x3FAE] =	sst s0;
	s0 =	simm.s32 @!p1 $0x0  }
0x14: {  	s2 =	sld [smem:$0x3F92];
	s0 =	simm.s32 @p1 $0x1  }
0x15: {  	[smem:$0x3FAF] =	sst s0;
	s0 =	simm.s32 @!p2 $0x0  }
0x16: {  	s3 =	sld [smem:$0x3FDB];
	s0 =	simm.s32 @p2 $0x1  }
0x17: {  	s4 =	simm.s32 $0x1BF5;
	[smem:$0x3FB1] =	sst s0  }
0x18: {  	s0 =	sld [smem:$0x3F94];
	_ =	swait.ge [sflag:s4], $0x0  }
0x19: {  	s7 =	sld [smem:$0x3F95]  }
0x1a: {  	s8 =	sadd.s32 $0xFFFFE003, lr  }
0x1b: {  	s9 =	sadd.s32 $0xFFFFFEF7, lr;
	s5 =	simm.s32 $0xFFFFFFFF;
	p2 =	slt.u32 s8, $0xFFFFF086  }
0x1c: {  	p1 =	slt.u32 s9, $0xF7A;
	s5 =	simm.s32 @!p2 $0x0  }
0x1d: {  	s5 =	simm.s32 @p1 $0x1;
	p0 =	seq.s32 s7, s2  }
0x1e: {  	s7 =	smul.u32 @!p0 $0xF7A, s2;
	p2 =	seq.s32 @!p0 s5, $0x0  }
0x1f: {  	s9 =	smul.u32 $0xF7A, s1;
	s8 =	simm.s32 @!p0 $0x1BF5;
	p2 =	por !p2, p0  }
0x20: {  	[sflag:s8] =	ssyncset.s32 @!p0 $0xFFFFF086;
	s6 =	sadd.s32 @!p0 s3, s7;
	s7 =	simm.s32 @!p0 $0x108  }
0x21: {  	s3 =	sadd.s32 s3, s9;
	s6 =	sadd.s32 @!p0 $0x88, s6;
	s7 =	simm.s32 @p2 $0x1082  }
0x22: {  	[simem:s7], [sflag:s8] =	dma.local @!p0 [hbm:s6], $0xF7A  }
0x23: {  	s9 =	sor.u32 $0xD0000000, s2;
	s6 =	simm.s32 $0x108;
	_ =	swait.ge @!p0 [sflag:s8], $0x0  }
0x24: {  	s3 =	sadd.s32 $0x88, s3;
	s6 =	simm.s32 @!p1 $0x1082;
	[sflag:s4] =	ssyncset.s32 $0xFFFFF086  }
0x25: {  	[simem:s6], [sflag:s4] =	dma.local [hbm:s3], $0xF7A  }
0x26: {  	[smem:$0x3F95] =	sst s1;
	(tag) =	ssettag s2;
	_ =	strace s9  }
0x27: {  	s1 =	sld [smem:$0x3FA5]  }
0x28: {  	s2 =	sld [smem:$0x3FA6]  }
0x29: {  	s4 =	sld [smem:$0x3FA8]  }
0x2a: {  	p0 =	seq.s32 s5, $0x0;
	s5 =	sld [smem:$0x3FA9]  }
0x2b: {  	s6 =	sld [smem:$0x3FAA]  }
0x2c: {  	s7 =	sld [smem:$0x3FAB]  }
0x2d: {  	s3 =	simm.s32 $0x108;
	s8 =	sld [smem:$0x3FAC]  }
0x2e: {  	s3 =	simm.s32 @!p0 $0x1082;
	s9 =	sld [smem:$0x3FAD]  }
0x2f: {  	lr =	sadd.s32 s0, s3;
	s0 =	sld [smem:$0x3FA4]  }
0x30: {  	s3 =	sld [smem:$0x3FA7]  }
0x31: {  	[smem:$0x3FB0] =	sst s10  }
0x32: {  	s10 =	sld [smem:$0x3FAE];
	_ =	sdelay $0x3  }
0x33: {  	p0 =	seq.s32 s10, $0x1;
	s10 =	sld [smem:$0x3FB0];
	_ =	sdelay $0x3  }
0x34: {  	[smem:$0x3FB0] =	sst s10  }
0x35: {  	s10 =	sld [smem:$0x3FAF];
	_ =	sdelay $0x3  }
0x36: {  	p1 =	seq.s32 s10, $0x1;
	s10 =	sld [smem:$0x3FB0];
	_ =	sdelay $0x3  }
0x37: {  	[smem:$0x3FB0] =	sst s10  }
0x38: {  	s10 =	sld [smem:$0x3FB1]  }
0x39: {  	_ = 	snop;
	(pc) =	sbr.ind lr, $3  }
0x3a: {  	_ = 	snop  }
0x3b: {  	_ = 	snop  }
0x3c: {  	p2 =	seq.s32 s10, $0x1;
	s10 =	sld [smem:$0x3FB0]  }
0x3d: {  	_ =	shalt  }
0x3e: {  	_ =	shalt  }
0x3f: {  	_ =	shalt  }
0x40: {  	_ =	shalt  }
0x41: {  	_ =	shalt  }
0x42: {  	_ =	shalt  }
0x43: {  	_ =	shalt  }
0x44: {  	_ =	shalt  }
0x45: {  	_ =	shalt  }
0x46: {  	_ =	shalt  }
0x47: {  	_ =	shalt  }
0x48: {  	_ =	shalt  }
0x49: {  	_ =	shalt  }
0x4a: {  	_ =	shalt  }
0x4b: {  	_ =	shalt  }
0x4c: {  	_ =	shalt  }
0x4d: {  	_ =	shalt  }
0x4e: {  	_ =	shalt  }
0x4f: {  	_ =	shalt  }
0x50: {  	_ =	shalt  }
0x51: {  	_ =	shalt  }
0x52: {  	_ =	shalt  }
0x53: {  	_ =	shalt  }
0x54: {  	_ =	shalt  }
0x55: {  	_ =	shalt  }
0x56: {  	_ =	shalt  }
0x57: {  	_ =	shalt  }
0x58: {  	_ =	shalt  }
0x59: {  	_ =	shalt  }
0x5a: {  	_ =	shalt  }
0x5b: {  	_ =	shalt  }
0x5c: {  	_ =	shalt  }
0x5d: {  	_ =	shalt  }
0x5e: {  	_ =	shalt  }
0x5f: {  	_ =	shalt  }
0x60: {  	_ =	shalt  }
0x61: {  	_ =	shalt  }
0x62: {  	_ =	shalt  }
0x63: {  	_ =	shalt  }
0x64: {  	_ =	shalt  }
0x65: {  	_ =	shalt  }
0x66: {  	_ =	shalt  }
0x67: {  	_ =	shalt  }
0x68: {  	_ =	shalt  }
0x69: {  	_ =	shalt  }
0x6a: {  	_ =	shalt  }
0x6b: {  	_ =	shalt  }
0x6c: {  	_ =	shalt  }
0x6d: {  	_ =	shalt  }
0x6e: {  	_ =	shalt  }
0x6f: {  	_ =	shalt  }
0x70: {  	_ =	shalt  }
0x71: {  	_ =	shalt  }
0x72: {  	_ =	shalt  }
0x73: {  	_ =	shalt  }
0x74: {  	_ =	shalt  }
0x75: {  	_ =	shalt  }
0x76: {  	_ =	shalt  }
0x77: {  	_ =	shalt  }
0x78: {  	_ =	shalt  }
0x79: {  	_ =	shalt  }
0x7a: {  	_ =	shalt  }
0x7b: {  	_ =	shalt  }
0x7c: {  	_ =	shalt  }
0x7d: {  	_ =	shalt  }
0x7e: {  	_ =	shalt  }
0x7f: {  	_ =	shalt  }
0x80: {  	_ =	shalt  }
0x81: {  	_ =	shalt  }
0x82: {  	_ =	shalt  }
0x83: {  	_ =	shalt  }
0x84: {  	_ =	shalt  }
0x85: {  	_ =	shalt  }
0x86: {  	_ =	shalt  }
0x87: {  	_ =	shalt  }
.Lfunc_end0:
.L_simem_size_0:
called_computation_lowered:
.L_overlay_start_0:
0x88: {  	s2 =	sld [smem:$0x3FD9]  }
0x89: {  	s3 =	sld [smem:$0x3FFE];
	_ =	sdelay $0x1  }
0x8a: {  	s1 =	srdreg.scid  }
0x8b: {  	s0 =	sand.u32 $0x1, s1  }
0x8c: {  	s16 =	sshll.u32 s0, $0xA;
	s2 =	sadd.s32 s3, s2  }
0x8d: {  	s2 =	sadd.s32 s2, s16  }
0x8e: {  	[smem:$0x3FBC] =	sst s2  }
0x8f: {  	_ = 	snop  }
0x90: {  	(tm) =	ssettm $0x1  }
0x91: {  	s17 =	sld [smem:$0x3FFB];
	_ =	sdelay $0x3  }
0x92: {  	_ =	strace s17  }
0x93: {  	s2 =	sld [smem:$0x3FFC];
	_ =	sdelay $0x3  }
0x94: {  	_ =	strace s2  }
0x95: {  	s2 =	sld [smem:$0x3FFD];
	_ =	sdelay $0x3  }
0x96: {  	_ =	strace s2  }
0x97: {  	_ =	strace $0x8FFFFFFF  }
0x98: {  	s18 =	sld [smem:$0x3FDB];
	_ =	sdelay $0x1  }
0x99: {  	s19 =	simm.s32 $_scs_section_size  }
0x9a: {  	s4 =	simm.s32 $_size__tile_overlayer_lowered;
	s5 =	simm.s32 $_tile_overlayer_lowered  }
0x9b: {  	s22 =	simm.s32 $0x1BFF;
	s21 =	sshll.u32 s5, $0x1;
	s2 =	sadd.s32 s19, s18  }
0x9c: {  	s6 =	simm.s32 $0x0;
	s20 =	sshll.u32 s4, $0x1;
	s4 =	sadd.s32 s21, s2  }
0x9d: {  	[timem:s6], [sflag:s22] =	dma.local [hbm:s4], s20  }
0x9e: {  	_ =	swait.ge [sflag:s22], s20  }
0x9f: {  	s3 =	ssub.s32 $0x0, s20;
	[sflag:s22] =	ssyncset.done $0x0  }
0xa0: {  	[sflag:s22] =	ssyncadd.s32 s3;
	_ =	sdelay $0x1  }
0xa1: {  	s23 =	simm.s32 $0x1B8B  }
0xa2: {  	_ =	swait.ge [sflag:s23], $0x1  }
0xa3: {  	[sflag:s23] =	ssyncset.done $0x0  }
0xa4: {  	s25 =	simm.s32 $0x1B8E;
	s24 =	sld [smem:$0x3FFE];
	[sflag:s23] =	ssyncadd.s32 $0xFFFFFFFF  }
0xa5: {  	s26 =	simm.s32 $execute0_lowered;
	[smem:$0x3FD2] =	sst s25  }
0xa6: {  	s4 =	sshll.u32 s26, $0x1;
	_ =	strace $0x80000046;
	[dreg:$0x1] =	wrdreg $0xFFFFFFFF  }
0xa7: {  	s28 =	simm.s32 $_size_execute0_lowered;
	s2 =	sadd.s32 s2, s4;
	[dreg:$0x0] =	wrdreg $0x0  }
0xa8: {  	s4 =	sshll.u32 s28, $0x1;
	[dreg:$0x2] =	wrdreg s2  }
0xa9: {  	[dreg:$0x3] =	wrdreg s4  }
0xaa: {  	[dreg:$0x4] =	wrdreg $0xC0  }
0xab: {  	_ =	task [dreg:s6], $0x5FFFF  }
0xac: {  	[dreg:$0x1] =	wrdreg $0xFFFFFFFF  }
0xad: {  	[dreg:$0x0] =	wrdreg $0x60  }
0xae: {  	[dreg:$0x2] =	wrdreg s24  }
0xaf: {  	[dreg:$0x3] =	wrdreg $0x0  }
0xb0: {  	[dreg:$0x4] =	wrdreg $0x187000  }
0xb1: {  	[dreg:$0x5] =	wrdreg $0x9  }
0xb2: {  	_ =	task.clear_ibuf [dreg:s6], $0x6FFFF;
	_ =	strace $0x90000046  }
0xb3: {  	s29 =	simm.s32 $0x9;
	_ =	strace $0x80000048  }
0xb4: {  	_ =	swait.ge [sflag:s29], $0x1  }
0xb5: {  	[sflag:s29] =	ssyncadd.s32 $0xFFFFFFFF  }
0xb6: {  	_ =	strace $0x90000048  }
0xb7: {  	_ =	sfence  }
0xb8: {  	s30 =	sld [smem:$0x0];
	_ =	sdelay $0x2  }
0xb9: {  	s31 =	sshll.u32 s1, $0xD;
	s1 =	sshrl.u32 s1, $0x2  }
0xba: {  	s3 =	sand.u32 $0x4000, s31;
	s1 =	sadd.s32 s1, s30  }
0xbb: {  	s0 =	sor.u32 s3, s0;
	s1 =	sshll.u32 s1, $0x11  }
0xbc: {  	s0 =	sor.u32 s1, s0  }
0xbd: {  	s0 =	sadd.s32 $0x8F2B, s0  }
0xbe: {  	[sflag:s0] =	ssyncadd.remote.s32 $0x1  }
0xbf: {  	_ =	sfence.sel $0xFFFF  }
0xc0: {  	[dreg:$0x0] =	wrdreg $0xFFFFFFFF;
	(pc) =	sbr.abs _section_cstart, $3  }
0xc1: {  	[dreg:$0x1] =	wrdreg $0xFFFFFFFF  }
0xc2: {  	_ =	task.clear_ibuf [dreg:s6], $0x2FFFF;
	_ =	strace $0x9FFFFFFF  }
0xc3: {  	(tm) =	ssettm $0x7FFFFFFF  }
tec
execute0_lowered:
.L_overlay_start_1:
0x0: {  	(tag) =	ssettag $0x1  }
0x1: {  	s1 =	rddreg [dreg:$0x0]  }
0x2: {  	s2 =	rddreg [dreg:$0x1];
	s9 =	stileid.u32  }
0x3: {  	s3 =	rddreg [dreg:$0x2];
	s0 =	smul.u32 $0x3100, s9  }
0x4: {  	s4 =	simm.s32 $0x0;
	s6 =	srdreg.scid;
	s7 =	smul.u32 $0x18700, s9  }
0x5: {  	[smem:$0x7FF] =	sst s4;
	s5 =	sadd.s32 $0x495200, s1;
	s9 =	smul.u32 $0x1870, s9  }
0x6: {  	s10 =	sand.u32 $0x1, s6;
	s6 =	sadd.s32 $0x1400, s1;
	_ =	strace $0x80000047  }
0x7: {  	s11 =	ssub.s32 $0x2, s10;
	p0 =	seq.s32 s10, $0x1;
	p1 =	sne.s32 s10, $0x0  }
0x8: {  	s0 =	sadd.s32 s0, s1;
	s8 =	sshrl.u32 s7, $0x3;
	s12 =	sshrl.u32 s9, $0x3  }
0x9: {  	s13 =	sshrl.u32 s11, $0x1;
	s14 =	sadd.s32 $0x200, s9;
	s21 =	sadd.s32 s7, s2  }
0xa: {  	s18 =	sadd.s32 $0x400, s9;
	s22 =	sadd.s32 $0x600, s9;
	s15 =	sadd.s32 $0x800, s9  }
0xb: {  	s31 =	sadd.s32 $0xA00, s9;
	s19 =	sadd.s32 s14, s3;
	[dreg:$0x4] =	wrdreg s21  }
0xc: {  	s8 =	sadd.s32 s8, s1;
	s25 =	sadd.s32 s18, s3;
	[dreg:$0x6] =	wrdreg s19  }
0xd: {  	s1 =	sadd.s32 s12, s1;
	s29 =	sadd.s32 s22, s3;
	[dreg:$0x8] =	wrdreg s25  }
0xe: {  	s16 =	sshll.u32 s14, $0x4;
	s14 =	sadd.s32 s15, s3;
	[dreg:$0xa] =	wrdreg s29  }
0xf: {  	s20 =	sshll.u32 s18, $0x4;
	s18 =	sadd.s32 s31, s3;
	[dreg:$0xc] =	wrdreg s14  }
0x10: {  	s11 =	ssub.s32 s11, s13;
	s17 =	sadd.s32 s16, s2;
	[dreg:$0xe] =	wrdreg s18  }
0x11: {  	s24 =	sshll.u32 s22, $0x4;
	s23 =	sadd.s32 s20, s2;
	[dreg:$0x5] =	wrdreg s17  }
0x12: {  	s28 =	sshll.u32 s15, $0x4;
	s26 =	sadd.s32 s24, s2;
	[dreg:$0x7] =	wrdreg s23  }
0x13: {  	s15 =	sshll.u32 s31, $0x4;
	s30 =	sadd.s32 s28, s2;
	[dreg:$0x9] =	wrdreg s26  }
0x14: {  	s31 =	sadd.s32 $0x1200, s9;
	s1 =	sadd.s32 $0xF5E00, s1;
	[dreg:$0xb] =	wrdreg s30  }
0x15: {  	s16 =	sadd.s32 $0xC00, s9;
	s17 =	sadd.s32 s15, s2;
	[smem:$0x7FC] =	sst s1  }
0x16: {  	s20 =	sadd.s32 $0xE00, s9;
	s25 =	sadd.s32 s16, s3;
	[dreg:$0xd] =	wrdreg s17  }
0x17: {  	s24 =	sadd.s32 $0x1000, s9;
	s29 =	sadd.s32 s20, s3;
	[dreg:$0x10] =	wrdreg s25  }
0x18: {  	s13 =	sshll.u32 s31, $0x4;
	s12 =	sadd.s32 s24, s3;
	[dreg:$0x12] =	wrdreg s29  }
0x19: {  	s14 =	sadd.s32 $0x1400, s9;
	s15 =	sadd.s32 s13, s2;
	[dreg:$0x14] =	wrdreg s12  }
0x1a: {  	s19 =	sshll.u32 s16, $0x4;
	s16 =	sadd.s32 s31, s3;
	[dreg:$0x15] =	wrdreg s15  }
0x1b: {  	s23 =	sshll.u32 s20, $0x4;
	s31 =	smax.u32 s11, $0x1;
	[dreg:$0x16] =	wrdreg s16  }
0x1c: {  	s28 =	sshll.u32 s24, $0x4;
	s22 =	sadd.s32 s19, s2;
	[smem:$0x7FD] =	sst s31  }
0x1d: {  	s20 =	sadd.s32 $0x1600, s9;
	s26 =	sadd.s32 s23, s2;
	[dreg:$0xf] =	wrdreg s22  }
0x1e: {  	s13 =	sadd.s32 $0x63200, s0;
	s30 =	sadd.s32 s28, s2;
	[dreg:$0x11] =	wrdreg s26  }
0x1f: {  	s17 =	sshll.u32 s14, $0x4;
	s19 =	sadd.s32 s14, s3;
	[dreg:$0x13] =	wrdreg s30  }
0x20: {  	s14 =	sadd.s32 s9, s3;
	s24 =	sadd.s32 s20, s3;
	[dreg:$0x18] =	wrdreg s19  }
0x21: {  	s9 =	sadd.s32 $0x1670, s9;
	s29 =	sadd.s32 $0xC5000, s8;
	[dreg:$0x1b] =	wrdreg s24  }
0x22: {  	s12 =	sadd.s32 $0x32200, s0;
	s15 =	simm.s32 $0x2;
	[dreg:$0x1e] =	wrdreg s29  }
0x23: {  	s16 =	simm.s32 $0x1C570;
	s18 =	sadd.s32 s17, s2;
	[dreg:$0x19] =	wrdreg s14  }
0x24: {  	s22 =	sshll.u32 s20, $0x4;
	s28 =	sadd.s32 s9, s3;
	[dreg:$0x17] =	wrdreg s18  }
0x25: {  	s25 =	sshll.u32 s9, $0x4;
	s30 =	sadd.s32 $0x94200, s8;
	[dreg:$0x1d] =	wrdreg s28  }
0x26: {  	s17 =	simm.s32 $0x19F70;
	s23 =	sadd.s32 s22, s2;
	[dreg:$0x1f] =	wrdreg s30  }
0x27: {  	s19 =	simm.s32 $0x1A170;
	s26 =	sadd.s32 s25, s2;
	[dreg:$0x1a] =	wrdreg s23  }
0x28: {  	v0 =	vimm.f32 $0.0e+00;
	v1 =	vimm.f32 $1.000000000e+00;
	s20 =	simm.s32 $0x0;
	s18 =	simm.s32 $0x3;
	[dreg:$0x1c] =	wrdreg s26  }
.LBB2_1:
0x29: {  	s0 =	simm.s32 $0x40;
	s1 =	simm.s32 $0x0  }
.LBB2_2:
0x2a: {  	p2 =	sne.s32 s0, $0x7FC0;
	[tilespmem:s1+$0x1A370] =	vst v0;
	s1 =	smov.u32 s0;
	s0 =	sadd.s32 $0x40, s0  }
.Ltmp0:
0x2b: {  	(pc) =	sbr.rel @p2 .LBB2_2-.Ltmp0, $2  }
0x2c: {  	_ =	sdelay $0x2  }
0x2d: {  	s1 =	sshra.s32 s1, $0x2  }
0x2e: {  	[tilespmem:s1+$0x1A370] =	vst v0  }
0x2f: {  	[tilespmem:$0x1C570] =	vst v0  }
0x30: {  	[tilespmem:$0x1C580] =	vst v0  }
0x31: {  	[tilespmem:$0x1C590] =	vst v0  }
0x32: {  	[tilespmem:$0x1C5A0] =	vst v0  }
0x33: {  	[tilespmem:$0x1C5B0] =	vst v0  }
0x34: {  	[tilespmem:$0x1C5C0] =	vst v0  }
0x35: {  	[tilespmem:$0x1C5D0] =	vst v0  }
0x36: {  	[tilespmem:$0x1C5E0] =	vst v0  }
0x37: {  	[tilespmem:$0x1C5F0] =	vst v0  }
0x38: {  	[tilespmem:$0x1C600] =	vst v0  }
0x39: {  	[tilespmem:$0x1C610] =	vst v0  }
0x3a: {  	[tilespmem:$0x1C620] =	vst v0  }
0x3b: {  	[tilespmem:$0x1C630] =	vst v0  }
0x3c: {  	[tilespmem:$0x1C640] =	vst v0  }
0x3d: {  	[tilespmem:$0x1C650] =	vst v0  }
0x3e: {  	[tilespmem:$0x1C660] =	vst v0  }
0x3f: {  	[tilespmem:$0x1C670] =	vst v0  }
0x40: {  	[tilespmem:$0x1C680] =	vst v0  }
0x41: {  	[tilespmem:$0x1C690] =	vst v0  }
0x42: {  	[tilespmem:$0x1C6A0] =	vst v0  }
0x43: {  	[tilespmem:$0x1C6B0] =	vst v0  }
0x44: {  	[tilespmem:$0x1C6C0] =	vst v0  }
0x45: {  	[tilespmem:$0x1C6D0] =	vst v0  }
0x46: {  	[tilespmem:$0x1C6E0] =	vst v0  }
0x47: {  	[tilespmem:$0x1C6F0] =	vst v0  }
0x48: {  	[tilespmem:$0x1C700] =	vst v0  }
0x49: {  	[tilespmem:$0x1C710] =	vst v0  }
0x4a: {  	[tilespmem:$0x1C720] =	vst v0  }
0x4b: {  	[tilespmem:$0x1C730] =	vst v0  }
0x4c: {  	[tilespmem:$0x1C740] =	vst v0  }
0x4d: {  	[tilespmem:$0x1C750] =	vst v0  }
0x4e: {  	[tilespmem:$0x1C760] =	vst v0  }
0x4f: {  	[tilespmem:$0x1C370] =	vst v1  }
0x50: {  	[tilespmem:$0x1C380] =	vst v1  }
0x51: {  	[tilespmem:$0x1C390] =	vst v1  }
0x52: {  	[tilespmem:$0x1C3A0] =	vst v1  }
0x53: {  	[tilespmem:$0x1C3B0] =	vst v1  }
0x54: {  	[tilespmem:$0x1C3C0] =	vst v1  }
0x55: {  	[tilespmem:$0x1C3D0] =	vst v1  }
0x56: {  	[tilespmem:$0x1C3E0] =	vst v1  }
0x57: {  	[tilespmem:$0x1C3F0] =	vst v1  }
0x58: {  	[tilespmem:$0x1C400] =	vst v1  }
0x59: {  	[tilespmem:$0x1C410] =	vst v1  }
0x5a: {  	[tilespmem:$0x1C420] =	vst v1  }
0x5b: {  	[tilespmem:$0x1C430] =	vst v1  }
0x5c: {  	[tilespmem:$0x1C440] =	vst v1  }
0x5d: {  	[tilespmem:$0x1C450] =	vst v1  }
0x5e: {  	[tilespmem:$0x1C460] =	vst v1  }
0x5f: {  	[tilespmem:$0x1C470] =	vst v1  }
0x60: {  	[tilespmem:$0x1C480] =	vst v1  }
0x61: {  	[tilespmem:$0x1C490] =	vst v1  }
0x62: {  	[tilespmem:$0x1C4A0] =	vst v1  }
0x63: {  	[tilespmem:$0x1C4B0] =	vst v1  }
0x64: {  	[tilespmem:$0x1C4C0] =	vst v1  }
0x65: {  	[tilespmem:$0x1C4D0] =	vst v1  }
0x66: {  	[tilespmem:$0x1C4E0] =	vst v1  }
0x67: {  	[tilespmem:$0x1C4F0] =	vst v1  }
0x68: {  	[tilespmem:$0x1C500] =	vst v1  }
0x69: {  	[tilespmem:$0x1C510] =	vst v1  }
0x6a: {  	[tilespmem:$0x1C520] =	vst v1  }
0x6b: {  	[tilespmem:$0x1C530] =	vst v1  }
0x6c: {  	[tilespmem:$0x1C540] =	vst v1  }
0x6d: {  	[tilespmem:$0x1C550] =	vst v1  }
0x6e: {  	s1 =	simm.s32 $0x1A370;
	[tilespmem:$0x1C560] =	vst v1  }
0x6f: {  	[spmem:s21] =	stream.linear.scatter [tilespmem:s1], [sflag:$0x2], $0x2000, $0x38;
	[tilespmem:$0x1C770] =	vst v63  }
0x70: {  	_ =	swait.ge [sflag:s15], $0x2000  }
0x71: {  	[sflag:s15] =	ssyncset.done $0x0  }
0x72: {  	[sflag:s15] =	ssyncadd.s32 $0xFFFFE000  }
0x73: {  	[spmem:s14] =	stream.linear.scatter [tilespmem:s16], [sflag:$0x2], $0x200, $0x38;
	[tilespmem:$0x1C770] =	vst v63  }
0x74: {  	_ =	swait.ge [sflag:s15], $0x200  }
0x75: {  	[sflag:s15] =	ssyncset.done $0x0  }
0x76: {  	s0 =	rddreg [dreg:$0x5];
	[sflag:s15] =	ssyncadd.s32 $0xFFFFFE00  }
0x77: {  	[spmem:s0] =	stream.linear.scatter [tilespmem:s1], [sflag:$0x2], $0x2000, $0x38;
	[tilespmem:$0x1C770] =	vst v63  }
0x78: {  	_ =	swait.ge [sflag:s15], $0x2000  }
0x79: {  	[sflag:s15] =	ssyncset.done $0x0  }
0x7a: {  	s26 =	rddreg [dreg:$0x6];
	[sflag:s15] =	ssyncadd.s32 $0xFFFFE000  }
0x7b: {  	[spmem:s26] =	stream.linear.scatter [tilespmem:s16], [sflag:$0x2], $0x200, $0x38;
	[tilespmem:$0x1C770] =	vst v63  }
0x7c: {  	_ =	swait.ge [sflag:s15], $0x200  }
0x7d: {  	[sflag:s15] =	ssyncset.done $0x0  }
0x7e: {  	s7 =	rddreg [dreg:$0x7];
	[sflag:s15] =	ssyncadd.s32 $0xFFFFFE00  }
0x7f: {  	[spmem:s7] =	stream.linear.scatter [tilespmem:s1], [sflag:$0x2], $0x2000, $0x38;
	[tilespmem:$0x1C770] =	vst v63  }
0x80: {  	_ =	swait.ge [sflag:s15], $0x2000  }
0x81: {  	[sflag:s15] =	ssyncset.done $0x0  }
0x82: {  	s8 =	rddreg [dreg:$0x8];
	[sflag:s15] =	ssyncadd.s32 $0xFFFFE000  }
0x83: {  	[spmem:s8] =	stream.linear.scatter [tilespmem:s16], [sflag:$0x2], $0x200, $0x38;
	[tilespmem:$0x1C770] =	vst v63  }
0x84: {  	_ =	swait.ge [sflag:s15], $0x200  }
0x85: {  	[sflag:s15] =	ssyncset.done $0x0  }
0x86: {  	s9 =	rddreg [dreg:$0x9];
	[sflag:s15] =	ssyncadd.s32 $0xFFFFFE00  }
0x87: {  	[spmem:s9] =	stream.linear.scatter [tilespmem:s1], [sflag:$0x2], $0x2000, $0x38;
	[tilespmem:$0x1C770] =	vst v63  }
0x88: {  	_ =	swait.ge [sflag:s15], $0x2000  }
0x89: {  	[sflag:s15] =	ssyncset.done $0x0  }
0x8a: {  	s10 =	rddreg [dreg:$0xa];
	[sflag:s15] =	ssyncadd.s32 $0xFFFFE000  }
0x8b: {  	[spmem:s10] =	stream.linear.scatter [tilespmem:s16], [sflag:$0x2], $0x200, $0x38;
	[tilespmem:$0x1C770] =	vst v63  }
0x8c: {  	_ =	swait.ge [sflag:s15], $0x200  }
0x8d: {  	[sflag:s15] =	ssyncset.done $0x0  }
0x8e: {  	s11 =	rddreg [dreg:$0xb];
	[sflag:s15] =	ssyncadd.s32 $0xFFFFFE00  }
0x8f: {  	[spmem:s11] =	stream.linear.scatter [tilespmem:s1], [sflag:$0x2], $0x2000, $0x38;
	[tilespmem:$0x1C770] =	vst v63  }
0x90: {  	_ =	swait.ge [sflag:s15], $0x2000  }
0x91: {  	[sflag:s15] =	ssyncset.done $0x0  }
0x92: {  	s14 =	rddreg [dreg:$0xc];
	[sflag:s15] =	ssyncadd.s32 $0xFFFFE000  }
0x93: {  	[spmem:s14] =	stream.linear.scatter [tilespmem:s16], [sflag:$0x2], $0x200, $0x38;
	[tilespmem:$0x1C770] =	vst v63  }
0x94: {  	_ =	swait.ge [sflag:s15], $0x200  }
0x95: {  	[sflag:s15] =	ssyncset.done $0x0  }
0x96: {  	s21 =	rddreg [dreg:$0xd];
	[sflag:s15] =	ssyncadd.s32 $0xFFFFFE00  }
0x97: {  	[spmem:s21] =	stream.linear.scatter [tilespmem:s1], [sflag:$0x2], $0x2000, $0x38;
	[tilespmem:$0x1C770] =	vst v63  }
0x98: {  	_ =	swait.ge [sflag:s15], $0x2000  }
0x99: {  	[sflag:s15] =	ssyncset.done $0x0  }
0x9a: {  	s22 =	rddreg [dreg:$0xe];
	[sflag:s15] =	ssyncadd.s32 $0xFFFFE000  }
0x9b: {  	[spmem:s22] =	stream.linear.scatter [tilespmem:s16], [sflag:$0x2], $0x200, $0x38;
	[tilespmem:$0x1C770] =	vst v63  }
0x9c: {  	_ =	swait.ge [sflag:s15], $0x200  }
0x9d: {  	[sflag:s15] =	ssyncset.done $0x0  }
0x9e: {  	s23 =	rddreg [dreg:$0xf];
	[sflag:s15] =	ssyncadd.s32 $0xFFFFFE00  }
0x9f: {  	[spmem:s23] =	stream.linear.scatter [tilespmem:s1], [sflag:$0x2], $0x2000, $0x38;
	[tilespmem:$0x1C770] =	vst v63  }
0xa0: {  	_ =	swait.ge [sflag:s15], $0x2000  }
0xa1: {  	[sflag:s15] =	ssyncset.done $0x0  }
0xa2: {  	s24 =	rddreg [dreg:$0x10];
	[sflag:s15] =	ssyncadd.s32 $0xFFFFE000  }
0xa3: {  	[spmem:s24] =	stream.linear.scatter [tilespmem:s16], [sflag:$0x2], $0x200, $0x38;
	[tilespmem:$0x1C770] =	vst v63  }
0xa4: {  	_ =	swait.ge [sflag:s15], $0x200  }
0xa5: {  	[sflag:s15] =	ssyncset.done $0x0  }
0xa6: {  	s25 =	rddreg [dreg:$0x11];
	[sflag:s15] =	ssyncadd.s32 $0xFFFFFE00  }
0xa7: {  	[spmem:s25] =	stream.linear.scatter [tilespmem:s1], [sflag:$0x2], $0x2000, $0x38;
	[tilespmem:$0x1C770] =	vst v63  }
0xa8: {  	_ =	swait.ge [sflag:s15], $0x2000  }
0xa9: {  	[sflag:s15] =	ssyncset.done $0x0  }
0xaa: {  	s26 =	rddreg [dreg:$0x12];
	[sflag:s15] =	ssyncadd.s32 $0xFFFFE000  }
0xab: {  	[spmem:s26] =	stream.linear.scatter [tilespmem:s16], [sflag:$0x2], $0x200, $0x38;
	[tilespmem:$0x1C770] =	vst v63  }
0xac: {  	_ =	swait.ge [sflag:s15], $0x200  }
0xad: {  	[sflag:s15] =	ssyncset.done $0x0  }
0xae: {  	s7 =	rddreg [dreg:$0x13];
	[sflag:s15] =	ssyncadd.s32 $0xFFFFFE00  }
0xaf: {  	[spmem:s7] =	stream.linear.scatter [tilespmem:s1], [sflag:$0x2], $0x2000, $0x38;
	[tilespmem:$0x1C770] =	vst v63  }
0xb0: {  	_ =	swait.ge [sflag:s15], $0x2000  }
0xb1: {  	[sflag:s15] =	ssyncset.done $0x0  }
0xb2: {  	s8 =	rddreg [dreg:$0x14];
	[sflag:s15] =	ssyncadd.s32 $0xFFFFE000  }
0xb3: {  	[spmem:s8] =	stream.linear.scatter [tilespmem:s16], [sflag:$0x2], $0x200, $0x38;
	[tilespmem:$0x1C770] =	vst v63  }
0xb4: {  	_ =	swait.ge [sflag:s15], $0x200  }
0xb5: {  	[sflag:s15] =	ssyncset.done $0x0  }
0xb6: {  	s9 =	rddreg [dreg:$0x15];
	[sflag:s15] =	ssyncadd.s32 $0xFFFFFE00  }
0xb7: {  	[spmem:s9] =	stream.linear.scatter [tilespmem:s1], [sflag:$0x2], $0x2000, $0x38;
	[tilespmem:$0x1C770] =	vst v63  }
0xb8: {  	_ =	swait.ge [sflag:s15], $0x2000  }
0xb9: {  	[sflag:s15] =	ssyncset.done $0x0  }
0xba: {  	s10 =	rddreg [dreg:$0x16];
	[sflag:s15] =	ssyncadd.s32 $0xFFFFE000  }
0xbb: {  	[spmem:s10] =	stream.linear.scatter [tilespmem:s16], [sflag:$0x2], $0x200, $0x38;
	[tilespmem:$0x1C770] =	vst v63  }
0xbc: {  	_ =	swait.ge [sflag:s15], $0x200  }
0xbd: {  	[sflag:s15] =	ssyncset.done $0x0  }
0xbe: {  	s11 =	rddreg [dreg:$0x17];
	[sflag:s15] =	ssyncadd.s32 $0xFFFFFE00  }
0xbf: {  	[spmem:s11] =	stream.linear.scatter [tilespmem:s1], [sflag:$0x2], $0x2000, $0x38;
	[tilespmem:$0x1C770] =	vst v63  }
0xc0: {  	_ =	swait.ge [sflag:s15], $0x2000  }
0xc1: {  	[sflag:s15] =	ssyncset.done $0x0  }
0xc2: {  	s14 =	rddreg [dreg:$0x18];
	[sflag:s15] =	ssyncadd.s32 $0xFFFFE000  }
0xc3: {  	[spmem:s14] =	stream.linear.scatter [tilespmem:s16], [sflag:$0x2], $0x200, $0x38;
	[tilespmem:$0x1C770] =	vst v63  }
0xc4: {  	_ =	swait.ge [sflag:s15], $0x200  }
0xc5: {  	[sflag:s15] =	ssyncset.done $0x0  }
0xc6: {  	s21 =	rddreg [dreg:$0x1a];
	[sflag:s15] =	ssyncadd.s32 $0xFFFFFE00  }
0xc7: {  	[spmem:s21] =	stream.linear.scatter [tilespmem:s1], [sflag:$0x2], $0x2000, $0x38;
	[tilespmem:$0x1C770] =	vst v63  }
0xc8: {  	_ =	swait.ge [sflag:s15], $0x2000  }
0xc9: {  	[sflag:s15] =	ssyncset.done $0x0  }
0xca: {  	s22 =	rddreg [dreg:$0x1b];
	[sflag:s15] =	ssyncadd.s32 $0xFFFFE000  }
0xcb: {  	[spmem:s22] =	stream.linear.scatter [tilespmem:s16], [sflag:$0x2], $0x200, $0x38;
	[tilespmem:$0x1C770] =	vst v63  }
0xcc: {  	_ =	swait.ge [sflag:s15], $0x200  }
0xcd: {  	[sflag:s15] =	ssyncset.done $0x0  }
0xce: {  	s23 =	rddreg [dreg:$0x1c];
	[sflag:s15] =	ssyncadd.s32 $0xFFFFFE00  }
0xcf: {  	[spmem:s23] =	stream.linear.scatter [tilespmem:s1], [sflag:$0x2], $0x2000, $0x38;
	[tilespmem:$0x1C770] =	vst v63  }
0xd0: {  	_ =	swait.ge [sflag:s15], $0x2000  }
0xd1: {  	[sflag:s15] =	ssyncset.done $0x0  }
0xd2: {  	s24 =	rddreg [dreg:$0x1d];
	[sflag:s15] =	ssyncadd.s32 $0xFFFFE000  }
0xd3: {  	[spmem:s24] =	stream.linear.scatter [tilespmem:s16], [sflag:$0x2], $0x200, $0x38;
	[tilespmem:$0x1C770] =	vst v63  }
0xd4: {  	_ =	swait.ge [sflag:s15], $0x200  }
0xd5: {  	[sflag:s15] =	ssyncset.done $0x0  }
0xd6: {  	[sflag:s15] =	ssyncadd.s32 $0xFFFFFE00  }
0xd7: {  	s25 =	sadd.s32 $0x0, s13;
	[bflag:$0x0] =	sbarrier.arrive $0xFFFF  }
0xd8: {  	[tilespmem:s17], [sflag:$0x3] =	stream.linear.gather [hbm4b:s25+s4], $0x200, $0x38;
	[tilespmem:$0x1C770] =	vst v63  }
0xd9: {  	_ =	swait.ge [sflag:s18], $0x200  }
0xda: {  	[sflag:s18] =	ssyncset.done $0x0  }
0xdb: {  	s26 =	sadd.s32 $0x0, s12;
	[sflag:s18] =	ssyncadd.s32 $0xFFFFFE00  }
0xdc: {  	[tilespmem:s19], [sflag:$0x3] =	stream.linear.gather [hbm4b:s26+s4], $0x200, $0x38;
	[tilespmem:$0x1C770] =	vst v63  }
0xdd: {  	_ =	swait.ge [sflag:s18], $0x200  }
0xde: {  	s21 =	simm.s32 @p1 $0x1A370;
	s22 =	simm.s32 @p1 $0x1;
	[sflag:s18] =	ssyncset.done $0x0  }
0xdf: {  	s23 =	simm.s32 @p1 $0x200;
	s24 =	simm.s32 @p1 $0x19F70;
	[sflag:s18] =	ssyncadd.s32 $0xFFFFFE00  }
0xe0: {  	[tilespmem:s21], [sflag:$0x1] =	stream.indirect.gather @p1 [hbm4b:s6+s23], $0x10, s24, s23, $0xb8;
	[tilespmem:$0x1C770] =	vst v63  }
0xe1: {  	_ =	swait.ge @p1 [sflag:s22], $0x2000  }
0xe2: {  	[sflag:s22] =	ssyncset.done @p1 $0x0  }
0xe3: {  	s25 =	simm.s32 @p1 $0x1A170;
	s26 =	simm.s32 @p1 $0x3;
	[sflag:s22] =	ssyncadd.s32 @p1 $0xFFFFE000  }
0xe4: {  	[spmem:s2] =	stream.indirect.scatter.add.f32 @p1 [tilespmem:s21], [sflag:$0x3], $0x10, s25, s23, $0xb8;
	[tilespmem:$0x1C770] =	vst v63  }
0xe5: {  	_ =	swait.ge @p1 [sflag:s26], $0x2000  }
0xe6: {  	[sflag:s26] =	ssyncset.done @p1 $0x0  }
0xe7: {  	s28 =	simm.s32 @p1 $0x1C370;
	s30 =	simm.s32 @p1 $0x2;
	[sflag:s26] =	ssyncadd.s32 @p1 $0xFFFFE000  }
0xe8: {  	[spmem:s3] =	stream.indirect.scatter.add.f32 @p1 [tilespmem:s28], [sflag:$0x2], $0x1, s25, s23, $0xb8;
	[tilespmem:$0x1C770] =	vst v63  }
0xe9: {  	_ =	swait.ge @p1 [sflag:s30], $0x200  }
0xea: {  	s31 =	simm.s32 @!p1 $0x1A370;
	s0 =	simm.s32 @!p1 $0x1;
	[sflag:s30] =	ssyncset.done @p1 $0x0  }
0xeb: {  	s8 =	simm.s32 @!p1 $0x19F70;
	s1 =	simm.s32 @!p1 $0x200;
	[sflag:s30] =	ssyncadd.s32 @p1 $0xFFFFFE00  }
0xec: {  	[tilespmem:s31], [sflag:$0x1] =	stream.indirect.gather @!p1 [hbm4b:s5+s1], $0x10, s8, s1, $0xb8;
	[tilespmem:$0x1C770] =	vst v63  }
0xed: {  	_ =	swait.ge @!p1 [sflag:s0], $0x2000  }
0xee: {  	[sflag:s0] =	ssyncset.done @!p1 $0x0  }
0xef: {  	s10 =	simm.s32 @!p1 $0x3;
	s11 =	simm.s32 @!p1 $0x1A170;
	[sflag:s0] =	ssyncadd.s32 @!p1 $0xFFFFE000  }
0xf0: {  	[spmem:s2] =	stream.indirect.scatter.add.f32 @!p1 [tilespmem:s31], [sflag:$0x3], $0x10, s11, s1, $0xb8;
	[tilespmem:$0x1C770] =	vst v63  }
0xf1: {  	_ =	swait.ge @!p1 [sflag:s10], $0x2000  }
0xf2: {  	s29 =	simm.s32 $0x80;
	s9 =	simm.s32 $0x40;
	[sflag:s10] =	ssyncset.done @!p1 $0x0  }
.LBB2_4:
0xf3: {  	s7 =	sadd.s32 s9, s13  }
0xf4: {  	[sflag:s10] =	ssyncadd.s32 @!p1 $0xFFFFE000;
	s14 =	smov.u32 s29;
	s29 =	sadd.s32 $0x40, s29  }
0xf5: {  	[tilespmem:s17], [sflag:$0x3] =	stream.linear.gather [hbm4b:s7+s4], $0x200, $0x38;
	[tilespmem:$0x1C770] =	vst v63  }
0xf6: {  	p2 =	sne.s32 s29, $0x3100;
	_ =	swait.ge [sflag:s18], $0x200  }
0xf7: {  	[sflag:s18] =	ssyncset.done $0x0  }
0xf8: {  	s7 =	sadd.s32 s9, s12;
	s9 =	smov.u32 s14;
	[sflag:s18] =	ssyncadd.s32 $0xFFFFFE00  }
0xf9: {  	[tilespmem:s19], [sflag:$0x3] =	stream.linear.gather [hbm4b:s7+s4], $0x200, $0x38;
	[tilespmem:$0x1C770] =	vst v63  }
0xfa: {  	_ =	swait.ge [sflag:s18], $0x200  }
0xfb: {  	[sflag:s18] =	ssyncset.done $0x0  }
0xfc: {  	[sflag:s18] =	ssyncadd.s32 $0xFFFFFE00  }
0xfd: {  	[tilespmem:s21], [sflag:$0x1] =	stream.indirect.gather @p1 [hbm4b:s6+s23], $0x10, s24, s23, $0xb8;
	[tilespmem:$0x1C770] =	vst v63  }
0xfe: {  	_ =	swait.ge @p1 [sflag:s22], $0x2000  }
0xff: {  	[sflag:s22] =	ssyncset.done @p1 $0x0  }
0x100: {  	[sflag:s22] =	ssyncadd.s32 @p1 $0xFFFFE000  }
0x101: {  	[spmem:s2] =	stream.indirect.scatter.add.f32 @p1 [tilespmem:s21], [sflag:$0x3], $0x10, s25, s23, $0xb8;
	[tilespmem:$0x1C770] =	vst v63  }
0x102: {  	_ =	swait.ge @p1 [sflag:s26], $0x2000  }
0x103: {  	[sflag:s26] =	ssyncset.done @p1 $0x0  }
0x104: {  	[sflag:s26] =	ssyncadd.s32 @p1 $0xFFFFE000  }
0x105: {  	[spmem:s3] =	stream.indirect.scatter.add.f32 @p1 [tilespmem:s28], [sflag:$0x2], $0x1, s25, s23, $0xb8;
	[tilespmem:$0x1C770] =	vst v63  }
0x106: {  	_ =	swait.ge @p1 [sflag:s30], $0x200  }
0x107: {  	[sflag:s30] =	ssyncset.done @p1 $0x0  }
0x108: {  	[sflag:s30] =	ssyncadd.s32 @p1 $0xFFFFFE00  }
0x109: {  	[tilespmem:s31], [sflag:$0x1] =	stream.indirect.gather @!p1 [hbm4b:s5+s1], $0x10, s8, s1, $0xb8;
	[tilespmem:$0x1C770] =	vst v63  }
0x10a: {  	_ =	swait.ge @!p1 [sflag:s0], $0x2000  }
.Ltmp1:
0x10b: {  	[sflag:s0] =	ssyncset.done @!p1 $0x0;
	(pc) =	sbr.rel @p2 .LBB2_4-.Ltmp1, $4  }
0x10c: {  	[sflag:s0] =	ssyncadd.s32 @!p1 $0xFFFFE000  }
0x10d: {  	[spmem:s2] =	stream.indirect.scatter.add.f32 @!p1 [tilespmem:s31], [sflag:$0x3], $0x10, s11, s1, $0xb8;
	[tilespmem:$0x1C770] =	vst v63  }
0x10e: {  	_ =	swait.ge @!p1 [sflag:s10], $0x2000  }
0x10f: {  	[sflag:s10] =	ssyncset.done @!p1 $0x0  }
0x110: {  	s0 =	sadd.s32 s9, s13;
	[sflag:s10] =	ssyncadd.s32 @!p1 $0xFFFFE000  }
0x111: {  	[tilespmem:s17], [sflag:$0x3] =	stream.linear.gather [hbm4b:s0+s4], $0x200, $0x38;
	[tilespmem:$0x1C770] =	vst v63  }
0x112: {  	_ =	swait.ge [sflag:s18], $0x200  }
0x113: {  	[sflag:s18] =	ssyncset.done $0x0  }
0x114: {  	s30 =	sadd.s32 s9, s12;
	[sflag:s18] =	ssyncadd.s32 $0xFFFFFE00  }
0x115: {  	[tilespmem:s19], [sflag:$0x3] =	stream.linear.gather [hbm4b:s30+s4], $0x200, $0x38;
	[tilespmem:$0x1C770] =	vst v63  }
0x116: {  	_ =	swait.ge [sflag:s18], $0x200  }
0x117: {  	s1 =	simm.s32 @p1 $0x1;
	s7 =	simm.s32 @p1 $0x200;
	[sflag:s18] =	ssyncset.done $0x0  }
0x118: {  	s8 =	simm.s32 @p1 $0x19F70;
	s0 =	simm.s32 @p1 $0x1A370;
	[sflag:s18] =	ssyncadd.s32 $0xFFFFFE00  }
0x119: {  	[tilespmem:s0], [sflag:$0x1] =	stream.indirect.gather @p1 [hbm4b:s6+s7], $0x10, s8, s7, $0xb8;
	[tilespmem:$0x1C770] =	vst v63  }
0x11a: {  	_ =	swait.ge @p1 [sflag:s1], $0x2000  }
0x11b: {  	[sflag:s1] =	ssyncset.done @p1 $0x0  }
0x11c: {  	s8 =	simm.s32 @p1 $0x3;
	[sflag:s1] =	ssyncadd.s32 @p1 $0xFFFFE000;
	s1 =	simm.s32 @p1 $0x1A170  }
0x11d: {  	[spmem:s2] =	stream.indirect.scatter.add.f32 @p1 [tilespmem:s0], [sflag:$0x3], $0x10, s1, s7, $0xb8;
	[tilespmem:$0x1C770] =	vst v63  }
0x11e: {  	_ =	swait.ge @p1 [sflag:s8], $0x2000  }
0x11f: {  	[sflag:s8] =	ssyncset.done @p1 $0x0  }
0x120: {  	s0 =	simm.s32 @p1 $0x1C370;
	[sflag:s8] =	ssyncadd.s32 @p1 $0xFFFFE000;
	s8 =	simm.s32 @p1 $0x2  }
0x121: {  	[spmem:s3] =	stream.indirect.scatter.add.f32 @p1 [tilespmem:s0], [sflag:$0x2], $0x1, s1, s7, $0xb8;
	[tilespmem:$0x1C770] =	vst v63  }
0x122: {  	_ =	swait.ge @p1 [sflag:s8], $0x200  }
0x123: {  	s0 =	simm.s32 @!p1 $0x1A370;
	s1 =	simm.s32 @!p1 $0x1;
	[sflag:s8] =	ssyncset.done @p1 $0x0  }
0x124: {  	s7 =	simm.s32 @!p1 $0x200;
	[sflag:s8] =	ssyncadd.s32 @p1 $0xFFFFFE00;
	s8 =	simm.s32 @!p1 $0x19F70  }
0x125: {  	[tilespmem:s0], [sflag:$0x1] =	stream.indirect.gather @!p1 [hbm4b:s5+s7], $0x10, s8, s7, $0xb8;
	[tilespmem:$0x1C770] =	vst v63  }
0x126: {  	_ =	swait.ge @!p1 [sflag:s1], $0x2000  }
0x127: {  	[sflag:s1] =	ssyncset.done @!p1 $0x0  }
0x128: {  	s8 =	simm.s32 @!p1 $0x3;
	[sflag:s1] =	ssyncadd.s32 @!p1 $0xFFFFE000;
	s1 =	simm.s32 @!p1 $0x1A170  }
0x129: {  	[spmem:s2] =	stream.indirect.scatter.add.f32 @!p1 [tilespmem:s0], [sflag:$0x3], $0x10, s1, s7, $0xb8;
	[tilespmem:$0x1C770] =	vst v63  }
0x12a: {  	_ =	swait.ge @!p1 [sflag:s8], $0x2000  }
0x12b: {  	[sflag:s8] =	ssyncset.done @!p1 $0x0  }
0x12c: {  	[sflag:s8] =	ssyncadd.s32 @!p1 $0xFFFFE000  }
0x12d: {  	s8 =	stileid.u32;
	[bflag:$0x0] =	sbarrier.arrive $0xFFFF  }
0x12e: {  	s0 =	sshll.u32 @p0 s8, $0x6;
	s21 =	rddreg [dreg:$0x4]  }
0x12f: {  	s0 =	sor.u32 @p0 $0x1C02, s0;
	s7 =	rddreg [dreg:$0x1f];
	s1 =	sshrl.u32 @p0 s21, $0x3  }
0x130: {  	[hbm:s7], [sflag:s0] =	dma.local @p0 [spmem:s1], $0x30E0  }
0x131: {  	s1 =	simm.s32 @p0 $0x2  }
0x132: {  	_ =	swait.ge @p0 [sflag:s1], $0x30E0  }
0x133: {  	s9 =	sld [smem:$0x7FC]  }
0x134: {  	[sflag:s1] =	ssyncset.done @p0 $0x0;
	s14 =	rddreg [dreg:$0x19]  }
0x135: {  	[sflag:s1] =	ssyncadd.s32 @p0 $0xFFFFCF20;
	s7 =	sshrl.u32 @p0 s14, $0x3  }
0x136: {  	[hbm:s9], [sflag:s0] =	dma.local @p0 [spmem:s7], $0x30E  }
0x137: {  	s0 =	sshll.u32 @!p0 s8, $0x6;
	_ =	swait.ge @p0 [sflag:s1], $0x30E  }
0x138: {  	s0 =	sor.u32 @!p0 $0x1C02, s0;
	[sflag:s1] =	ssyncset.done @p0 $0x0  }
0x139: {  	s8 =	rddreg [dreg:$0x1e];
	[sflag:s1] =	ssyncadd.s32 @p0 $0xFFFFFCF2;
	s1 =	sshrl.u32 @!p0 s21, $0x3  }
0x13a: {  	[hbm:s8], [sflag:s0] =	dma.local @!p0 [spmem:s1], $0x30E0  }
0x13b: {  	s0 =	simm.s32 @!p0 $0x2  }
0x13c: {  	_ =	swait.ge @!p0 [sflag:s0], $0x30E0  }
0x13d: {  	s31 =	sld [smem:$0x7FD];
	_ =	sdelay $0x1  }
0x13e: {  	s20 =	sadd.s32 $0x1, s20  }
0x13f: {  	p2 =	sne.s32 s20, s31  }
.Ltmp2:
0x140: {  	_ = 	snop;
	(pc) =	sbr.rel @p2 .LBB2_1-.Ltmp2, $3  }
0x141: {  	_ =	sdelay $0x1  }
0x142: {  	[sflag:s0] =	ssyncset.done @!p0 $0x0  }
0x143: {  	s7 =	stileid.u32;
	[sflag:s0] =	ssyncadd.s32 @!p0 $0xFFFFCF20  }
0x144: {  	_ =	sfence.sel $0x180000  }
0x145: {  	[bflag:$0x0] =	sbarrier.arrive $0xFFFF  }
0x146: {  	_ =	strace $0x90000047  }
0x147: {  	[bflag:$0x2] =	sbarrier.arrive $0xFFFF  }
0x148: {  	p0 =	sne.s32 s7, $0x0;
	s0 =	rddreg [dreg:$0x3]  }
0x149: {  	s0 =	sadd.s32 @!p0 $0x100000, s0  }
0x14a: {  	[sflag:s0] =	ssyncadd.tile.s32 @!p0 $0x1;
	_ =	shalt  }
.Lfunc_end2:
_tile_overlayer_lowered:
.L_overlay_start_2:
0x14b: {  	(tag) =	ssettag $0x2  }
0x14c: {  	s0 =	rddreg [dreg:$0x0];
	s2 =	stileid.u32  }
0x14d: {  	s1 =	rddreg [dreg:$0x1];
	p0 =	sne.s32 s2, $0x0  }
0x14e: {  	s3 =	rddreg [dreg:$0x2];
	[bflag:$0x3] =	sbarrier.arrive $0xFFFF;
	s2 =	simm.s32 @!p0 $0x1C02  }
0x14f: {  	[timem:s3], [sflag:s2] =	dma.local @!p0 [hbm:s0], s1  }
0x150: {  	s0 =	simm.s32 @!p0 $0x2  }
0x151: {  	_ =	swait.ge @!p0 [sflag:s0], s1  }
0x152: {  	s1 =	ssub.s32 @!p0 $0x0, s1;
	[sflag:s0] =	ssyncset.done @!p0 $0x0  }
0x153: {  	[sflag:s0] =	ssyncadd.s32 @!p0 s1  }
0x154: {  	[bflag:$0x3] =	sbarrier.arrive $0xFFFF  }
0x155: {  	_ =	shalt  }

</sc_bundles>
